<compile_context>
chip_gen: v7x
topology: tpu7x:2x2x1
jax: 0.10.2.dev20260603
libtpu: 0.0.44.dev20260713+nightly
codegen_flags: <defaults>
</compile_context>

<pallas_src>
import functools

import jax
import jax.numpy as jnp
from jax import lax
from jax.experimental import pallas as pl
from jax.experimental.pallas import tpu as pltpu
from jax.experimental.pallas import tpu_sc as plsc

VOCAB = 1000000
D = 64
BATCH = 16384
FIELDS = 26
FLAT = BATCH * FIELDS

_info = plsc.get_sparse_core_info()
NC, NS = _info.num_cores, _info.num_subcores
NW = NC * NS
ROWS_PER_W = BATCH // NW
RPC = 16
CHUNK = RPC * FIELDS
NCHUNK = ROWS_PER_W // RPC


def _body(idx_hbm, tab_hbm, out_hbm, idx_v, rows_v, sem):
    wid = lax.axis_index("s") * NC + lax.axis_index("c")
    row0 = wid * ROWS_PER_W
    pltpu.sync_copy(idx_hbm.at[wid], idx_v)

    def gather_start(j, slot):
        pltpu.async_copy(tab_hbm.at[idx_v.at[j]], rows_v.at[slot], sem.at[slot])

    def gather_wait(j, slot):
        pltpu.make_async_copy(
            tab_hbm.at[idx_v.at[j]], rows_v.at[slot], sem.at[slot]
        ).wait()

    def write_out(j, slot):
        for r in range(RPC):
            pltpu.sync_copy(
                rows_v.at[slot, pl.ds(r * FIELDS, FIELDS)],
                out_hbm.at[row0 + j * RPC + r, pl.ds(0, FIELDS), pl.ds(0, D)],
            )

    gather_start(0, 0)

    def chunk(j, carry):
        slot = j & 1
        gather_wait(j, slot)
        gather_start(j + 1, 1 - slot)
        write_out(j, slot)
        return carry

    lax.fori_loop(0, NCHUNK - 1, chunk, 0)
    last = NCHUNK - 1
    gather_wait(last, last & 1)
    write_out(last, last & 1)


_lookup = functools.partial(
    pl.kernel,
    mesh=plsc.VectorSubcoreMesh(core_axis_name="c", subcore_axis_name="s"),
    out_type=jax.ShapeDtypeStruct((BATCH, 32, 128), jnp.float32),
    scratch_types=[
        pltpu.VMEM((NCHUNK, CHUNK), jnp.int32),
        pltpu.VMEM((2, CHUNK, D), jnp.float32),
        pltpu.SemaphoreType.DMA((2,)),
    ],
    compiler_params=pltpu.CompilerParams(use_tc_tiling_on_sc=False),
)(_body)


def kernel(x, embedding_table):
    idx3 = x.reshape(-1).astype(jnp.int32).reshape(NW, NCHUNK, CHUNK)
    out = _lookup(idx3, embedding_table)
    return out[:, :FIELDS, :D]

# --- scband reference (transcript-rebuilt; emitter-appended) ---
"""Pipeline reference for scband-dense-embeddings-layer-42176578846822 (READ-ONLY COPY).

The authoritative reference and input builder live on the scoring server;
editing this copy changes nothing except your own understanding.
"""

import jax, jax.numpy as jnp
import numpy as np

VOCAB = 1000000
EMBED_DIM = 64
BATCH = 16384
FIELDS = 26

def setup_inputs(seed: int = 0) -> dict:
    key = jax.random.key(seed)
    k_idx, k_tab = jax.random.split(key)
    x = jax.random.randint(k_idx, (BATCH, FIELDS), 0, VOCAB, dtype=jnp.int64)
    # he_normal initializer: stddev = sqrt(2 / fan_in); for an embedding table fan_in = vocab rows' feature dim
    std = float(np.sqrt(2.0 / EMBED_DIM))
    embedding_table = jax.random.normal(k_tab, (VOCAB, EMBED_DIM), dtype=jnp.float32) * std
    return {"x": x, "embedding_table": embedding_table}

def reference(x, embedding_table):
    # embedding_lookup_unique: dedup ids, gather unique rows, then scatter back
    # to original positions. Mathematically identical to a direct gather.
    flat = x.reshape(-1)
    gathered = jnp.take(embedding_table, flat, axis=0)
    out = gathered.reshape(x.shape + (embedding_table.shape[-1],))
    return out

if __name__ == "__main__":
    import jax
    _d = setup_inputs()
    print(jax.jit(kernel)(*tuple(_d.values())))

</pallas_src>

<mosaic_0001>
#map = affine_map<(d0, d1) -> (0, 0, 0)>
#map1 = affine_map<(d0, d1) -> (0, 0)>
module attributes {stable_mosaic.version = 14 : i64} {
  func.func @_body(%arg0: i32, %arg1: i32, %arg2: memref<32x32x416xi32, #tpu.memory_space<hbm>>, %arg3: memref<1000000x64xf32, #tpu.memory_space<hbm>>, %arg4: memref<16384x32x128xf32, #tpu.memory_space<hbm>>, %arg5: memref<32x416xi32, #tpu.memory_space<vmem>>, %arg6: memref<2x416x64xf32, #tpu.memory_space<vmem>>, %arg7: memref<2x!tpu.dma_semaphore, #tpu.memory_space<semaphore_mem>>) attributes {dimension_semantics = [#tpu.dimension_semantics<core_parallel>, #tpu.dimension_semantics<subcore_parallel>], iteration_bounds = array<i64: 2, 16>, scalar_prefetch = 0 : i64, scratch_operands = 3 : i64, tpu.core_type = #tpu.core_type<sc_vector_subcore>, window_params = [{transform_indices = #map}, {transform_indices = #map1}, {transform_indices = #map}]} {
    %mul3A = arith.constant 2 : i32
    %mul3A_0 = arith.muli %arg1, %mul3A : i32
    %add3A = arith.addi %mul3A_0, %arg0 : i32
    %mul3A_1 = arith.constant 512 : i32
    %mul3A_2 = arith.muli %add3A, %mul3A_1 : i32
    "tpu.region"() ({
      %run_scoped3A_115 = tpu.sem_alloc : memref<!tpu.dma_semaphore, #tpu.memory_space<semaphore_mem>>
      %dma_start3A_116 = arith.constant 0 : i32
      %dma_start3A_117 = arith.constant 0 : i32
      %dma_start3A_118 = tpu.memref_slice %arg2[%add3A, %dma_start3A_116, %dma_start3A_117] : memref<32x32x416xi32, #tpu.memory_space<hbm>> -> memref<1x32x416xi32, #tpu.memory_space<hbm>>
      %dma_start3A_119 = tpu.memref_squeeze %dma_start3A_118 : memref<1x32x416xi32, #tpu.memory_space<hbm>> -> memref<32x416xi32, #tpu.memory_space<hbm>>
      %dma_start3A_120 = arith.constant 0 : i32
      %dma_start3A_121 = arith.constant 0 : i32
      %dma_start3A_122 = tpu.memref_slice %arg2[%add3A, %dma_start3A_120, %dma_start3A_121] : memref<32x32x416xi32, #tpu.memory_space<hbm>> -> memref<1x32x416xi32, #tpu.memory_space<hbm>>
      %dma_start3A_123 = tpu.memref_squeeze %dma_start3A_122 : memref<1x32x416xi32, #tpu.memory_space<hbm>> -> memref<32x416xi32, #tpu.memory_space<hbm>>
      tpu.enqueue_dma source(%dma_start3A_123 : memref<32x416xi32, #tpu.memory_space<hbm>>) target(%arg5 : memref<32x416xi32, #tpu.memory_space<vmem>>) target_semaphore(%run_scoped3A_115 : memref<!tpu.dma_semaphore, #tpu.memory_space<semaphore_mem>>)
      %dma_wait3A_124 = arith.constant 0 : i32
      %dma_wait3A_125 = arith.constant 0 : i32
      %dma_wait3A_126 = tpu.memref_slice %arg2[%add3A, %dma_wait3A_124, %dma_wait3A_125] : memref<32x32x416xi32, #tpu.memory_space<hbm>> -> memref<1x32x416xi32, #tpu.memory_space<hbm>>
      %dma_wait3A_127 = tpu.memref_squeeze %dma_wait3A_126 : memref<1x32x416xi32, #tpu.memory_space<hbm>> -> memref<32x416xi32, #tpu.memory_space<hbm>>
      %dma_wait3A_128 = arith.constant 0 : i32
      %dma_wait3A_129 = arith.constant 0 : i32
      %dma_wait3A_130 = tpu.memref_slice %arg2[%add3A, %dma_wait3A_128, %dma_wait3A_129] : memref<32x32x416xi32, #tpu.memory_space<hbm>> -> memref<1x32x416xi32, #tpu.memory_space<hbm>>
      %dma_wait3A_131 = tpu.memref_squeeze %dma_wait3A_130 : memref<1x32x416xi32, #tpu.memory_space<hbm>> -> memref<32x416xi32, #tpu.memory_space<hbm>>
      tpu.wait_dma2 semaphore(%run_scoped3A_115 : memref<!tpu.dma_semaphore, #tpu.memory_space<semaphore_mem>>) src(%dma_wait3A_131 : memref<32x416xi32, #tpu.memory_space<hbm>>) dst(%arg5 : memref<32x416xi32, #tpu.memory_space<vmem>>)
      tpu.yield
    }) : () -> ()
    %dma_start3A = arith.constant 0 : i32
    %dma_start3A_3 = arith.constant 0 : i32
    %dma_start3A_4 = arith.constant 0 : i32
    %dma_start3A_5 = arith.constant 0 : i32
    %dma_start3A_6 = arith.constant 0 : i32
    %dma_start3A_7 = tpu.memref_slice %arg6[%dma_start3A_3, %dma_start3A_5, %dma_start3A_6] : memref<2x416x64xf32, #tpu.memory_space<vmem>> -> memref<1x416x64xf32, #tpu.memory_space<vmem>>
    %dma_start3A_8 = tpu.memref_squeeze %dma_start3A_7 : memref<1x416x64xf32, #tpu.memory_space<vmem>> -> memref<416x64xf32, #tpu.memory_space<vmem>>
    %dma_start3A_9 = arith.constant 0 : i32
    %dma_start3A_10 = tpu.memref_slice %arg5[%dma_start3A, %dma_start3A_9] : memref<32x416xi32, #tpu.memory_space<vmem>> -> memref<1x416xi32, #tpu.memory_space<vmem>>
    %dma_start3A_11 = tpu.memref_squeeze %dma_start3A_10 : memref<1x416xi32, #tpu.memory_space<vmem>> -> memref<416xi32, #tpu.memory_space<vmem>>
    %dma_start3A_12 = arith.constant 0 : i32
    %dma_start3A_13 = arith.constant 0 : i32
    %dma_start3A_14 = tpu.memref_slice %arg3[%dma_start3A_12, %dma_start3A_13] : memref<1000000x64xf32, #tpu.memory_space<hbm>> -> memref<1000000x64xf32, #tpu.memory_space<hbm>>
    %dma_start3A_15 = tpu.memref_slice %arg7[%dma_start3A_4] : memref<2x!tpu.dma_semaphore, #tpu.memory_space<semaphore_mem>> -> memref<1x!tpu.dma_semaphore, #tpu.memory_space<semaphore_mem>>
    %dma_start3A_16 = tpu.memref_squeeze %dma_start3A_15 : memref<1x!tpu.dma_semaphore, #tpu.memory_space<semaphore_mem>> -> memref<!tpu.dma_semaphore, #tpu.memory_space<semaphore_mem>>
    tpu.enqueue_indirect_dma source(%dma_start3A_14 : memref<1000000x64xf32, #tpu.memory_space<hbm>>) target(%dma_start3A_8 : memref<416x64xf32, #tpu.memory_space<vmem>>) offsets(%dma_start3A_11 : memref<416xi32, #tpu.memory_space<vmem>>) semaphore(%dma_start3A_16 : memref<!tpu.dma_semaphore, #tpu.memory_space<semaphore_mem>>)
    %scan3A = arith.constant 0 : i32
    %scan3A_17 = arith.constant 0 : i32
    %scan3A_18 = arith.constant 31 : i32
    %scan3A_19 = arith.addi %scan3A_17, %scan3A_18 : i32
    %scan3A_20 = arith.constant 1 : i32
    scf.for %scan3A_115 = %scan3A_17 to %scan3A_19 step %scan3A_20  : i32 {
      %and3A = arith.constant 1 : i32
      %and3A_116 = arith.andi %scan3A_115, %and3A : i32
      %dma_wait3A_117 = arith.constant 0 : i32
      %dma_wait3A_118 = arith.constant 0 : i32
      %dma_wait3A_119 = tpu.memref_slice %arg6[%and3A_116, %dma_wait3A_117, %dma_wait3A_118] : memref<2x416x64xf32, #tpu.memory_space<vmem>> -> memref<1x416x64xf32, #tpu.memory_space<vmem>>
      %dma_wait3A_120 = tpu.memref_squeeze %dma_wait3A_119 : memref<1x416x64xf32, #tpu.memory_space<vmem>> -> memref<416x64xf32, #tpu.memory_space<vmem>>
      %dma_wait3A_121 = arith.constant 0 : i32
      %dma_wait3A_122 = tpu.memref_slice %arg5[%scan3A_115, %dma_wait3A_121] : memref<32x416xi32, #tpu.memory_space<vmem>> -> memref<1x416xi32, #tpu.memory_space<vmem>>
      %dma_wait3A_123 = tpu.memref_squeeze %dma_wait3A_122 : memref<1x416xi32, #tpu.memory_space<vmem>> -> memref<416xi32, #tpu.memory_space<vmem>>
      %dma_wait3A_124 = arith.constant 0 : i32
      %dma_wait3A_125 = arith.constant 0 : i32
      %dma_wait3A_126 = tpu.memref_slice %arg3[%dma_wait3A_124, %dma_wait3A_125] : memref<1000000x64xf32, #tpu.memory_space<hbm>> -> memref<1000000x64xf32, #tpu.memory_space<hbm>>
      %dma_wait3A_127 = tpu.memref_slice %arg7[%and3A_116] : memref<2x!tpu.dma_semaphore, #tpu.memory_space<semaphore_mem>> -> memref<1x!tpu.dma_semaphore, #tpu.memory_space<semaphore_mem>>
      %dma_wait3A_128 = tpu.memref_squeeze %dma_wait3A_127 : memref<1x!tpu.dma_semaphore, #tpu.memory_space<semaphore_mem>> -> memref<!tpu.dma_semaphore, #tpu.memory_space<semaphore_mem>>
      tpu.wait_indirect_dma semaphore(%dma_wait3A_128 : memref<!tpu.dma_semaphore, #tpu.memory_space<semaphore_mem>>) src(%dma_wait3A_126 : memref<1000000x64xf32, #tpu.memory_space<hbm>>) dst(%dma_wait3A_120 : memref<416x64xf32, #tpu.memory_space<vmem>>)
      %add3A_129 = arith.constant 1 : i32
      %add3A_130 = arith.addi %scan3A_115, %add3A_129 : i32
      %sub3A = arith.constant 1 : i32
      %sub3A_131 = arith.subi %sub3A, %and3A_116 : i32
      %dma_start3A_132 = arith.constant 0 : i32
      %dma_start3A_133 = arith.constant 0 : i32
      %dma_start3A_134 = tpu.memref_slice %arg6[%sub3A_131, %dma_start3A_132, %dma_start3A_133] : memref<2x416x64xf32, #tpu.memory_space<vmem>> -> memref<1x416x64xf32, #tpu.memory_space<vmem>>
      %dma_start3A_135 = tpu.memref_squeeze %dma_start3A_134 : memref<1x416x64xf32, #tpu.memory_space<vmem>> -> memref<416x64xf32, #tpu.memory_space<vmem>>
      %dma_start3A_136 = arith.constant 0 : i32
      %dma_start3A_137 = tpu.memref_slice %arg5[%add3A_130, %dma_start3A_136] : memref<32x416xi32, #tpu.memory_space<vmem>> -> memref<1x416xi32, #tpu.memory_space<vmem>>
      %dma_start3A_138 = tpu.memref_squeeze %dma_start3A_137 : memref<1x416xi32, #tpu.memory_space<vmem>> -> memref<416xi32, #tpu.memory_space<vmem>>
      %dma_start3A_139 = arith.constant 0 : i32
      %dma_start3A_140 = arith.constant 0 : i32
      %dma_start3A_141 = tpu.memref_slice %arg3[%dma_start3A_139, %dma_start3A_140] : memref<1000000x64xf32, #tpu.memory_space<hbm>> -> memref<1000000x64xf32, #tpu.memory_space<hbm>>
      %dma_start3A_142 = tpu.memref_slice %arg7[%sub3A_131] : memref<2x!tpu.dma_semaphore, #tpu.memory_space<semaphore_mem>> -> memref<1x!tpu.dma_semaphore, #tpu.memory_space<semaphore_mem>>
      %dma_start3A_143 = tpu.memref_squeeze %dma_start3A_142 : memref<1x!tpu.dma_semaphore, #tpu.memory_space<semaphore_mem>> -> memref<!tpu.dma_semaphore, #tpu.memory_space<semaphore_mem>>
      tpu.enqueue_indirect_dma source(%dma_start3A_141 : memref<1000000x64xf32, #tpu.memory_space<hbm>>) target(%dma_start3A_135 : memref<416x64xf32, #tpu.memory_space<vmem>>) offsets(%dma_start3A_138 : memref<416xi32, #tpu.memory_space<vmem>>) semaphore(%dma_start3A_143 : memref<!tpu.dma_semaphore, #tpu.memory_space<semaphore_mem>>)
      %mul3A_144 = arith.constant 16 : i32
      %mul3A_145 = arith.muli %scan3A_115, %mul3A_144 : i32
      %add3A_146 = arith.addi %mul3A_2, %mul3A_145 : i32
      %add3A_147 = arith.constant 0 : i32
      %add3A_148 = arith.addi %add3A_146, %add3A_147 : i32
      "tpu.region"() ({
        %run_scoped3A_224 = tpu.sem_alloc : memref<!tpu.dma_semaphore, #tpu.memory_space<semaphore_mem>>
        %dma_start3A_225 = arith.constant 0 : i32
        %dma_start3A_226 = arith.constant 0 : i32
        %dma_start3A_227 = tpu.memref_slice %arg6[%and3A_116, %dma_start3A_225, %dma_start3A_226] : memref<2x416x64xf32, #tpu.memory_space<vmem>> -> memref<1x26x64xf32, #tpu.memory_space<vmem>>
        %dma_start3A_228 = tpu.memref_squeeze %dma_start3A_227 : memref<1x26x64xf32, #tpu.memory_space<vmem>> -> memref<26x64xf32, #tpu.memory_space<vmem>>
        %dma_start3A_229 = arith.constant 0 : i32
        %dma_start3A_230 = arith.constant 0 : i32
        %dma_start3A_231 = tpu.memref_slice %arg4[%add3A_148, %dma_start3A_229, %dma_start3A_230] : memref<16384x32x128xf32, #tpu.memory_space<hbm>> -> memref<1x26x64xf32, #tpu.memory_space<hbm>>
        %dma_start3A_232 = tpu.memref_squeeze %dma_start3A_231 : memref<1x26x64xf32, #tpu.memory_space<hbm>> -> memref<26x64xf32, #tpu.memory_space<hbm>>
        %dma_start3A_233 = arith.constant 0 : i32
        %dma_start3A_234 = arith.constant 0 : i32
        %dma_start3A_235 = tpu.memref_slice %arg4[%add3A_148, %dma_start3A_233, %dma_start3A_234] : memref<16384x32x128xf32, #tpu.memory_space<hbm>> -> memref<1x26x64xf32, #tpu.memory_space<hbm>>
        %dma_start3A_236 = tpu.memref_squeeze %dma_start3A_235 : memref<1x26x64xf32, #tpu.memory_space<hbm>> -> memref<26x64xf32, #tpu.memory_space<hbm>>
        %dma_start3A_237 = arith.constant 0 : i32
        %dma_start3A_238 = arith.constant 0 : i32
        %dma_start3A_239 = tpu.memref_slice %arg6[%and3A_116, %dma_start3A_237, %dma_start3A_238] : memref<2x416x64xf32, #tpu.memory_space<vmem>> -> memref<1x26x64xf32, #tpu.memory_space<vmem>>
        %dma_start3A_240 = tpu.memref_squeeze %dma_start3A_239 : memref<1x26x64xf32, #tpu.memory_space<vmem>> -> memref<26x64xf32, #tpu.memory_space<vmem>>
        tpu.enqueue_dma source(%dma_start3A_240 : memref<26x64xf32, #tpu.memory_space<vmem>>) target(%dma_start3A_236 : memref<26x64xf32, #tpu.memory_space<hbm>>) target_semaphore(%run_scoped3A_224 : memref<!tpu.dma_semaphore, #tpu.memory_space<semaphore_mem>>)
        %dma_wait3A_241 = arith.constant 0 : i32
        %dma_wait3A_242 = arith.constant 0 : i32
        %dma_wait3A_243 = tpu.memref_slice %arg6[%and3A_116, %dma_wait3A_241, %dma_wait3A_242] : memref<2x416x64xf32, #tpu.memory_space<vmem>> -> memref<1x26x64xf32, #tpu.memory_space<vmem>>
        %dma_wait3A_244 = tpu.memref_squeeze %dma_wait3A_243 : memref<1x26x64xf32, #tpu.memory_space<vmem>> -> memref<26x64xf32, #tpu.memory_space<vmem>>
        %dma_wait3A_245 = arith.constant 0 : i32
        %dma_wait3A_246 = arith.constant 0 : i32
        %dma_wait3A_247 = tpu.memref_slice %arg4[%add3A_148, %dma_wait3A_245, %dma_wait3A_246] : memref<16384x32x128xf32, #tpu.memory_space<hbm>> -> memref<1x26x64xf32, #tpu.memory_space<hbm>>
        %dma_wait3A_248 = tpu.memref_squeeze %dma_wait3A_247 : memref<1x26x64xf32, #tpu.memory_space<hbm>> -> memref<26x64xf32, #tpu.memory_space<hbm>>
        %dma_wait3A_249 = arith.constant 0 : i32
        %dma_wait3A_250 = arith.constant 0 : i32
        %dma_wait3A_251 = tpu.memref_slice %arg4[%add3A_148, %dma_wait3A_249, %dma_wait3A_250] : memref<16384x32x128xf32, #tpu.memory_space<hbm>> -> memref<1x26x64xf32, #tpu.memory_space<hbm>>
        %dma_wait3A_252 = tpu.memref_squeeze %dma_wait3A_251 : memref<1x26x64xf32, #tpu.memory_space<hbm>> -> memref<26x64xf32, #tpu.memory_space<hbm>>
        %dma_wait3A_253 = arith.constant 0 : i32
        %dma_wait3A_254 = arith.constant 0 : i32
        %dma_wait3A_255 = tpu.memref_slice %arg6[%and3A_116, %dma_wait3A_253, %dma_wait3A_254] : memref<2x416x64xf32, #tpu.memory_space<vmem>> -> memref<1x26x64xf32, #tpu.memory_space<vmem>>
        %dma_wait3A_256 = tpu.memref_squeeze %dma_wait3A_255 : memref<1x26x64xf32, #tpu.memory_space<vmem>> -> memref<26x64xf32, #tpu.memory_space<vmem>>
        tpu.wait_dma2 semaphore(%run_scoped3A_224 : memref<!tpu.dma_semaphore, #tpu.memory_space<semaphore_mem>>) src(%dma_wait3A_256 : memref<26x64xf32, #tpu.memory_space<vmem>>) dst(%dma_wait3A_252 : memref<26x64xf32, #tpu.memory_space<hbm>>)
        tpu.yield
      }) : () -> ()
      %mul3A_149 = arith.constant 16 : i32
      %mul3A_150 = arith.muli %scan3A_115, %mul3A_149 : i32
      %add3A_151 = arith.addi %mul3A_2, %mul3A_150 : i32
      %add3A_152 = arith.constant 1 : i32
      %add3A_153 = arith.addi %add3A_151, %add3A_152 : i32
      "tpu.region"() ({
        %run_scoped3A_224 = tpu.sem_alloc : memref<!tpu.dma_semaphore, #tpu.memory_space<semaphore_mem>>
        %dma_start3A_225 = arith.constant 26 : i32
        %dma_start3A_226 = arith.constant 0 : i32
        %dma_start3A_227 = tpu.memref_slice %arg6[%and3A_116, %dma_start3A_225, %dma_start3A_226] : memref<2x416x64xf32, #tpu.memory_space<vmem>> -> memref<1x26x64xf32, #tpu.memory_space<vmem>>
        %dma_start3A_228 = tpu.memref_squeeze %dma_start3A_227 : memref<1x26x64xf32, #tpu.memory_space<vmem>> -> memref<26x64xf32, #tpu.memory_space<vmem>>
        %dma_start3A_229 = arith.constant 0 : i32
        %dma_start3A_230 = arith.constant 0 : i32
        %dma_start3A_231 = tpu.memref_slice %arg4[%add3A_153, %dma_start3A_229, %dma_start3A_230] : memref<16384x32x128xf32, #tpu.memory_space<hbm>> -> memref<1x26x64xf32, #tpu.memory_space<hbm>>
        %dma_start3A_232 = tpu.memref_squeeze %dma_start3A_231 : memref<1x26x64xf32, #tpu.memory_space<hbm>> -> memref<26x64xf32, #tpu.memory_space<hbm>>
        %dma_start3A_233 = arith.constant 0 : i32
        %dma_start3A_234 = arith.constant 0 : i32
        %dma_start3A_235 = tpu.memref_slice %arg4[%add3A_153, %dma_start3A_233, %dma_start3A_234] : memref<16384x32x128xf32, #tpu.memory_space<hbm>> -> memref<1x26x64xf32, #tpu.memory_space<hbm>>
        %dma_start3A_236 = tpu.memref_squeeze %dma_start3A_235 : memref<1x26x64xf32, #tpu.memory_space<hbm>> -> memref<26x64xf32, #tpu.memory_space<hbm>>
        %dma_start3A_237 = arith.constant 26 : i32
        %dma_start3A_238 = arith.constant 0 : i32
        %dma_start3A_239 = tpu.memref_slice %arg6[%and3A_116, %dma_start3A_237, %dma_start3A_238] : memref<2x416x64xf32, #tpu.memory_space<vmem>> -> memref<1x26x64xf32, #tpu.memory_space<vmem>>
        %dma_start3A_240 = tpu.memref_squeeze %dma_start3A_239 : memref<1x26x64xf32, #tpu.memory_space<vmem>> -> memref<26x64xf32, #tpu.memory_space<vmem>>
        tpu.enqueue_dma source(%dma_start3A_240 : memref<26x64xf32, #tpu.memory_space<vmem>>) target(%dma_start3A_236 : memref<26x64xf32, #tpu.memory_space<hbm>>) target_semaphore(%run_scoped3A_224 : memref<!tpu.dma_semaphore, #tpu.memory_space<semaphore_mem>>)
        %dma_wait3A_241 = arith.constant 26 : i32
        %dma_wait3A_242 = arith.constant 0 : i32
        %dma_wait3A_243 = tpu.memref_slice %arg6[%and3A_116, %dma_wait3A_241, %dma_wait3A_242] : memref<2x416x64xf32, #tpu.memory_space<vmem>> -> memref<1x26x64xf32, #tpu.memory_space<vmem>>
        %dma_wait3A_244 = tpu.memref_squeeze %dma_wait3A_243 : memref<1x26x64xf32, #tpu.memory_space<vmem>> -> memref<26x64xf32, #tpu.memory_space<vmem>>
        %dma_wait3A_245 = arith.constant 0 : i32
        %dma_wait3A_246 = arith.constant 0 : i32
        %dma_wait3A_247 = tpu.memref_slice %arg4[%add3A_153, %dma_wait3A_245, %dma_wait3A_246] : memref<16384x32x128xf32, #tpu.memory_space<hbm>> -> memref<1x26x64xf32, #tpu.memory_space<hbm>>
        %dma_wait3A_248 = tpu.memref_squeeze %dma_wait3A_247 : memref<1x26x64xf32, #tpu.memory_space<hbm>> -> memref<26x64xf32, #tpu.memory_space<hbm>>
        %dma_wait3A_249 = arith.constant 0 : i32
        %dma_wait3A_250 = arith.constant 0 : i32
        %dma_wait3A_251 = tpu.memref_slice %arg4[%add3A_153, %dma_wait3A_249, %dma_wait3A_250] : memref<16384x32x128xf32, #tpu.memory_space<hbm>> -> memref<1x26x64xf32, #tpu.memory_space<hbm>>
        %dma_wait3A_252 = tpu.memref_squeeze %dma_wait3A_251 : memref<1x26x64xf32, #tpu.memory_space<hbm>> -> memref<26x64xf32, #tpu.memory_space<hbm>>
        %dma_wait3A_253 = arith.constant 26 : i32
        %dma_wait3A_254 = arith.constant 0 : i32
        %dma_wait3A_255 = tpu.memref_slice %arg6[%and3A_116, %dma_wait3A_253, %dma_wait3A_254] : memref<2x416x64xf32, #tpu.memory_space<vmem>> -> memref<1x26x64xf32, #tpu.memory_space<vmem>>
        %dma_wait3A_256 = tpu.memref_squeeze %dma_wait3A_255 : memref<1x26x64xf32, #tpu.memory_space<vmem>> -> memref<26x64xf32, #tpu.memory_space<vmem>>
        tpu.wait_dma2 semaphore(%run_scoped3A_224 : memref<!tpu.dma_semaphore, #tpu.memory_space<semaphore_mem>>) src(%dma_wait3A_256 : memref<26x64xf32, #tpu.memory_space<vmem>>) dst(%dma_wait3A_252 : memref<26x64xf32, #tpu.memory_space<hbm>>)
        tpu.yield
      }) : () -> ()
      %mul3A_154 = arith.constant 16 : i32
      %mul3A_155 = arith.muli %scan3A_115, %mul3A_154 : i32
      %add3A_156 = arith.addi %mul3A_2, %mul3A_155 : i32
      %add3A_157 = arith.constant 2 : i32
      %add3A_158 = arith.addi %add3A_156, %add3A_157 : i32
      "tpu.region"() ({
        %run_scoped3A_224 = tpu.sem_alloc : memref<!tpu.dma_semaphore, #tpu.memory_space<semaphore_mem>>
        %dma_start3A_225 = arith.constant 52 : i32
        %dma_start3A_226 = arith.constant 0 : i32
        %dma_start3A_227 = tpu.memref_slice %arg6[%and3A_116, %dma_start3A_225, %dma_start3A_226] : memref<2x416x64xf32, #tpu.memory_space<vmem>> -> memref<1x26x64xf32, #tpu.memory_space<vmem>>
        %dma_start3A_228 = tpu.memref_squeeze %dma_start3A_227 : memref<1x26x64xf32, #tpu.memory_space<vmem>> -> memref<26x64xf32, #tpu.memory_space<vmem>>
        %dma_start3A_229 = arith.constant 0 : i32
        %dma_start3A_230 = arith.constant 0 : i32
        %dma_start3A_231 = tpu.memref_slice %arg4[%add3A_158, %dma_start3A_229, %dma_start3A_230] : memref<16384x32x128xf32, #tpu.memory_space<hbm>> -> memref<1x26x64xf32, #tpu.memory_space<hbm>>
        %dma_start3A_232 = tpu.memref_squeeze %dma_start3A_231 : memref<1x26x64xf32, #tpu.memory_space<hbm>> -> memref<26x64xf32, #tpu.memory_space<hbm>>
        %dma_start3A_233 = arith.constant 0 : i32
        %dma_start3A_234 = arith.constant 0 : i32
        %dma_start3A_235 = tpu.memref_slice %arg4[%add3A_158, %dma_start3A_233, %dma_start3A_234] : memref<16384x32x128xf32, #tpu.memory_space<hbm>> -> memref<1x26x64xf32, #tpu.memory_space<hbm>>
        %dma_start3A_236 = tpu.memref_squeeze %dma_start3A_235 : memref<1x26x64xf32, #tpu.memory_space<hbm>> -> memref<26x64xf32, #tpu.memory_space<hbm>>
        %dma_start3A_237 = arith.constant 52 : i32
        %dma_start3A_238 = arith.constant 0 : i32
        %dma_start3A_239 = tpu.memref_slice %arg6[%and3A_116, %dma_start3A_237, %dma_start3A_238] : memref<2x416x64xf32, #tpu.memory_space<vmem>> -> memref<1x26x64xf32, #tpu.memory_space<vmem>>
        %dma_start3A_240 = tpu.memref_squeeze %dma_start3A_239 : memref<1x26x64xf32, #tpu.memory_space<vmem>> -> memref<26x64xf32, #tpu.memory_space<vmem>>
        tpu.enqueue_dma source(%dma_start3A_240 : memref<26x64xf32, #tpu.memory_space<vmem>>) target(%dma_start3A_236 : memref<26x64xf32, #tpu.memory_space<hbm>>) target_semaphore(%run_scoped3A_224 : memref<!tpu.dma_semaphore, #tpu.memory_space<semaphore_mem>>)
        %dma_wait3A_241 = arith.constant 52 : i32
        %dma_wait3A_242 = arith.constant 0 : i32
        %dma_wait3A_243 = tpu.memref_slice %arg6[%and3A_116, %dma_wait3A_241, %dma_wait3A_242] : memref<2x416x64xf32, #tpu.memory_space<vmem>> -> memref<1x26x64xf32, #tpu.memory_space<vmem>>
        %dma_wait3A_244 = tpu.memref_squeeze %dma_wait3A_243 : memref<1x26x64xf32, #tpu.memory_space<vmem>> -> memref<26x64xf32, #tpu.memory_space<vmem>>
        %dma_wait3A_245 = arith.constant 0 : i32
        %dma_wait3A_246 = arith.constant 0 : i32
        %dma_wait3A_247 = tpu.memref_slice %arg4[%add3A_158, %dma_wait3A_245, %dma_wait3A_246] : memref<16384x32x128xf32, #tpu.memory_space<hbm>> -> memref<1x26x64xf32, #tpu.memory_space<hbm>>
        %dma_wait3A_248 = tpu.memref_squeeze %dma_wait3A_247 : memref<1x26x64xf32, #tpu.memory_space<hbm>> -> memref<26x64xf32, #tpu.memory_space<hbm>>
        %dma_wait3A_249 = arith.constant 0 : i32
        %dma_wait3A_250 = arith.constant 0 : i32
        %dma_wait3A_251 = tpu.memref_slice %arg4[%add3A_158, %dma_wait3A_249, %dma_wait3A_250] : memref<16384x32x128xf32, #tpu.memory_space<hbm>> -> memref<1x26x64xf32, #tpu.memory_space<hbm>>
        %dma_wait3A_252 = tpu.memref_squeeze %dma_wait3A_251 : memref<1x26x64xf32, #tpu.memory_space<hbm>> -> memref<26x64xf32, #tpu.memory_space<hbm>>
        %dma_wait3A_253 = arith.constant 52 : i32
        %dma_wait3A_254 = arith.constant 0 : i32
        %dma_wait3A_255 = tpu.memref_slice %arg6[%and3A_116, %dma_wait3A_253, %dma_wait3A_254] : memref<2x416x64xf32, #tpu.memory_space<vmem>> -> memref<1x26x64xf32, #tpu.memory_space<vmem>>
        %dma_wait3A_256 = tpu.memref_squeeze %dma_wait3A_255 : memref<1x26x64xf32, #tpu.memory_space<vmem>> -> memref<26x64xf32, #tpu.memory_space<vmem>>
        tpu.wait_dma2 semaphore(%run_scoped3A_224 : memref<!tpu.dma_semaphore, #tpu.memory_space<semaphore_mem>>) src(%dma_wait3A_256 : memref<26x64xf32, #tpu.memory_space<vmem>>) dst(%dma_wait3A_252 : memref<26x64xf32, #tpu.memory_space<hbm>>)
        tpu.yield
      }) : () -> ()
      %mul3A_159 = arith.constant 16 : i32
      %mul3A_160 = arith.muli %scan3A_115, %mul3A_159 : i32
      %add3A_161 = arith.addi %mul3A_2, %mul3A_160 : i32
      %add3A_162 = arith.constant 3 : i32
      %add3A_163 = arith.addi %add3A_161, %add3A_162 : i32
      "tpu.region"() ({
        %run_scoped3A_224 = tpu.sem_alloc : memref<!tpu.dma_semaphore, #tpu.memory_space<semaphore_mem>>
        %dma_start3A_225 = arith.constant 78 : i32
        %dma_start3A_226 = arith.constant 0 : i32
        %dma_start3A_227 = tpu.memref_slice %arg6[%and3A_116, %dma_start3A_225, %dma_start3A_226] : memref<2x416x64xf32, #tpu.memory_space<vmem>> -> memref<1x26x64xf32, #tpu.memory_space<vmem>>
        %dma_start3A_228 = tpu.memref_squeeze %dma_start3A_227 : memref<1x26x64xf32, #tpu.memory_space<vmem>> -> memref<26x64xf32, #tpu.memory_space<vmem>>
        %dma_start3A_229 = arith.constant 0 : i32
        %dma_start3A_230 = arith.constant 0 : i32
        %dma_start3A_231 = tpu.memref_slice %arg4[%add3A_163, %dma_start3A_229, %dma_start3A_230] : memref<16384x32x128xf32, #tpu.memory_space<hbm>> -> memref<1x26x64xf32, #tpu.memory_space<hbm>>
        %dma_start3A_232 = tpu.memref_squeeze %dma_start3A_231 : memref<1x26x64xf32, #tpu.memory_space<hbm>> -> memref<26x64xf32, #tpu.memory_space<hbm>>
        %dma_start3A_233 = arith.constant 0 : i32
        %dma_start3A_234 = arith.constant 0 : i32
        %dma_start3A_235 = tpu.memref_slice %arg4[%add3A_163, %dma_start3A_233, %dma_start3A_234] : memref<16384x32x128xf32, #tpu.memory_space<hbm>> -> memref<1x26x64xf32, #tpu.memory_space<hbm>>
        %dma_start3A_236 = tpu.memref_squeeze %dma_start3A_235 : memref<1x26x64xf32, #tpu.memory_space<hbm>> -> memref<26x64xf32, #tpu.memory_space<hbm>>
        %dma_start3A_237 = arith.constant 78 : i32
        %dma_start3A_238 = arith.constant 0 : i32
        %dma_start3A_239 = tpu.memref_slice %arg6[%and3A_116, %dma_start3A_237, %dma_start3A_238] : memref<2x416x64xf32, #tpu.memory_space<vmem>> -> memref<1x26x64xf32, #tpu.memory_space<vmem>>
        %dma_start3A_240 = tpu.memref_squeeze %dma_start3A_239 : memref<1x26x64xf32, #tpu.memory_space<vmem>> -> memref<26x64xf32, #tpu.memory_space<vmem>>
        tpu.enqueue_dma source(%dma_start3A_240 : memref<26x64xf32, #tpu.memory_space<vmem>>) target(%dma_start3A_236 : memref<26x64xf32, #tpu.memory_space<hbm>>) target_semaphore(%run_scoped3A_224 : memref<!tpu.dma_semaphore, #tpu.memory_space<semaphore_mem>>)
        %dma_wait3A_241 = arith.constant 78 : i32
        %dma_wait3A_242 = arith.constant 0 : i32
        %dma_wait3A_243 = tpu.memref_slice %arg6[%and3A_116, %dma_wait3A_241, %dma_wait3A_242] : memref<2x416x64xf32, #tpu.memory_space<vmem>> -> memref<1x26x64xf32, #tpu.memory_space<vmem>>
        %dma_wait3A_244 = tpu.memref_squeeze %dma_wait3A_243 : memref<1x26x64xf32, #tpu.memory_space<vmem>> -> memref<26x64xf32, #tpu.memory_space<vmem>>
        %dma_wait3A_245 = arith.constant 0 : i32
        %dma_wait3A_246 = arith.constant 0 : i32
        %dma_wait3A_247 = tpu.memref_slice %arg4[%add3A_163, %dma_wait3A_245, %dma_wait3A_246] : memref<16384x32x128xf32, #tpu.memory_space<hbm>> -> memref<1x26x64xf32, #tpu.memory_space<hbm>>
        %dma_wait3A_248 = tpu.memref_squeeze %dma_wait3A_247 : memref<1x26x64xf32, #tpu.memory_space<hbm>> -> memref<26x64xf32, #tpu.memory_space<hbm>>
        %dma_wait3A_249 = arith.constant 0 : i32
        %dma_wait3A_250 = arith.constant 0 : i32
        %dma_wait3A_251 = tpu.memref_slice %arg4[%add3A_163, %dma_wait3A_249, %dma_wait3A_250] : memref<16384x32x128xf32, #tpu.memory_space<hbm>> -> memref<1x26x64xf32, #tpu.memory_space<hbm>>
        %dma_wait3A_252 = tpu.memref_squeeze %dma_wait3A_251 : memref<1x26x64xf32, #tpu.memory_space<hbm>> -> memref<26x64xf32, #tpu.memory_space<hbm>>
        %dma_wait3A_253 = arith.constant 78 : i32
        %dma_wait3A_254 = arith.constant 0 : i32
        %dma_wait3A_255 = tpu.memref_slice %arg6[%and3A_116, %dma_wait3A_253, %dma_wait3A_254] : memref<2x416x64xf32, #tpu.memory_space<vmem>> -> memref<1x26x64xf32, #tpu.memory_space<vmem>>
        %dma_wait3A_256 = tpu.memref_squeeze %dma_wait3A_255 : memref<1x26x64xf32, #tpu.memory_space<vmem>> -> memref<26x64xf32, #tpu.memory_space<vmem>>
        tpu.wait_dma2 semaphore(%run_scoped3A_224 : memref<!tpu.dma_semaphore, #tpu.memory_space<semaphore_mem>>) src(%dma_wait3A_256 : memref<26x64xf32, #tpu.memory_space<vmem>>) dst(%dma_wait3A_252 : memref<26x64xf32, #tpu.memory_space<hbm>>)
        tpu.yield
      }) : () -> ()
      %mul3A_164 = arith.constant 16 : i32
      %mul3A_165 = arith.muli %scan3A_115, %mul3A_164 : i32
      %add3A_166 = arith.addi %mul3A_2, %mul3A_165 : i32
      %add3A_167 = arith.constant 4 : i32
      %add3A_168 = arith.addi %add3A_166, %add3A_167 : i32
      "tpu.region"() ({
        %run_scoped3A_224 = tpu.sem_alloc : memref<!tpu.dma_semaphore, #tpu.memory_space<semaphore_mem>>
        %dma_start3A_225 = arith.constant 104 : i32
        %dma_start3A_226 = arith.constant 0 : i32
        %dma_start3A_227 = tpu.memref_slice %arg6[%and3A_116, %dma_start3A_225, %dma_start3A_226] : memref<2x416x64xf32, #tpu.memory_space<vmem>> -> memref<1x26x64xf32, #tpu.memory_space<vmem>>
        %dma_start3A_228 = tpu.memref_squeeze %dma_start3A_227 : memref<1x26x64xf32, #tpu.memory_space<vmem>> -> memref<26x64xf32, #tpu.memory_space<vmem>>
        %dma_start3A_229 = arith.constant 0 : i32
        %dma_start3A_230 = arith.constant 0 : i32
        %dma_start3A_231 = tpu.memref_slice %arg4[%add3A_168, %dma_start3A_229, %dma_start3A_230] : memref<16384x32x128xf32, #tpu.memory_space<hbm>> -> memref<1x26x64xf32, #tpu.memory_space<hbm>>
        %dma_start3A_232 = tpu.memref_squeeze %dma_start3A_231 : memref<1x26x64xf32, #tpu.memory_space<hbm>> -> memref<26x64xf32, #tpu.memory_space<hbm>>
        %dma_start3A_233 = arith.constant 0 : i32
        %dma_start3A_234 = arith.constant 0 : i32
        %dma_start3A_235 = tpu.memref_slice %arg4[%add3A_168, %dma_start3A_233, %dma_start3A_234] : memref<16384x32x128xf32, #tpu.memory_space<hbm>> -> memref<1x26x64xf32, #tpu.memory_space<hbm>>
        %dma_start3A_236 = tpu.memref_squeeze %dma_start3A_235 : memref<1x26x64xf32, #tpu.memory_space<hbm>> -> memref<26x64xf32, #tpu.memory_space<hbm>>
        %dma_start3A_237 = arith.constant 104 : i32
        %dma_start3A_238 = arith.constant 0 : i32
        %dma_start3A_239 = tpu.memref_slice %arg6[%and3A_116, %dma_start3A_237, %dma_start3A_238] : memref<2x416x64xf32, #tpu.memory_space<vmem>> -> memref<1x26x64xf32, #tpu.memory_space<vmem>>
        %dma_start3A_240 = tpu.memref_squeeze %dma_start3A_239 : memref<1x26x64xf32, #tpu.memory_space<vmem>> -> memref<26x64xf32, #tpu.memory_space<vmem>>
        tpu.enqueue_dma source(%dma_start3A_240 : memref<26x64xf32, #tpu.memory_space<vmem>>) target(%dma_start3A_236 : memref<26x64xf32, #tpu.memory_space<hbm>>) target_semaphore(%run_scoped3A_224 : memref<!tpu.dma_semaphore, #tpu.memory_space<semaphore_mem>>)
        %dma_wait3A_241 = arith.constant 104 : i32
        %dma_wait3A_242 = arith.constant 0 : i32
        %dma_wait3A_243 = tpu.memref_slice %arg6[%and3A_116, %dma_wait3A_241, %dma_wait3A_242] : memref<2x416x64xf32, #tpu.memory_space<vmem>> -> memref<1x26x64xf32, #tpu.memory_space<vmem>>
        %dma_wait3A_244 = tpu.memref_squeeze %dma_wait3A_243 : memref<1x26x64xf32, #tpu.memory_space<vmem>> -> memref<26x64xf32, #tpu.memory_space<vmem>>
        %dma_wait3A_245 = arith.constant 0 : i32
        %dma_wait3A_246 = arith.constant 0 : i32
        %dma_wait3A_247 = tpu.memref_slice %arg4[%add3A_168, %dma_wait3A_245, %dma_wait3A_246] : memref<16384x32x128xf32, #tpu.memory_space<hbm>> -> memref<1x26x64xf32, #tpu.memory_space<hbm>>
        %dma_wait3A_248 = tpu.memref_squeeze %dma_wait3A_247 : memref<1x26x64xf32, #tpu.memory_space<hbm>> -> memref<26x64xf32, #tpu.memory_space<hbm>>
        %dma_wait3A_249 = arith.constant 0 : i32
        %dma_wait3A_250 = arith.constant 0 : i32
        %dma_wait3A_251 = tpu.memref_slice %arg4[%add3A_168, %dma_wait3A_249, %dma_wait3A_250] : memref<16384x32x128xf32, #tpu.memory_space<hbm>> -> memref<1x26x64xf32, #tpu.memory_space<hbm>>
        %dma_wait3A_252 = tpu.memref_squeeze %dma_wait3A_251 : memref<1x26x64xf32, #tpu.memory_space<hbm>> -> memref<26x64xf32, #tpu.memory_space<hbm>>
        %dma_wait3A_253 = arith.constant 104 : i32
        %dma_wait3A_254 = arith.constant 0 : i32
        %dma_wait3A_255 = tpu.memref_slice %arg6[%and3A_116, %dma_wait3A_253, %dma_wait3A_254] : memref<2x416x64xf32, #tpu.memory_space<vmem>> -> memref<1x26x64xf32, #tpu.memory_space<vmem>>
        %dma_wait3A_256 = tpu.memref_squeeze %dma_wait3A_255 : memref<1x26x64xf32, #tpu.memory_space<vmem>> -> memref<26x64xf32, #tpu.memory_space<vmem>>
        tpu.wait_dma2 semaphore(%run_scoped3A_224 : memref<!tpu.dma_semaphore, #tpu.memory_space<semaphore_mem>>) src(%dma_wait3A_256 : memref<26x64xf32, #tpu.memory_space<vmem>>) dst(%dma_wait3A_252 : memref<26x64xf32, #tpu.memory_space<hbm>>)
        tpu.yield
      }) : () -> ()
      %mul3A_169 = arith.constant 16 : i32
      %mul3A_170 = arith.muli %scan3A_115, %mul3A_169 : i32
      %add3A_171 = arith.addi %mul3A_2, %mul3A_170 : i32
      %add3A_172 = arith.constant 5 : i32
      %add3A_173 = arith.addi %add3A_171, %add3A_172 : i32
      "tpu.region"() ({
        %run_scoped3A_224 = tpu.sem_alloc : memref<!tpu.dma_semaphore, #tpu.memory_space<semaphore_mem>>
        %dma_start3A_225 = arith.constant 130 : i32
        %dma_start3A_226 = arith.constant 0 : i32
        %dma_start3A_227 = tpu.memref_slice %arg6[%and3A_116, %dma_start3A_225, %dma_start3A_226] : memref<2x416x64xf32, #tpu.memory_space<vmem>> -> memref<1x26x64xf32, #tpu.memory_space<vmem>>
        %dma_start3A_228 = tpu.memref_squeeze %dma_start3A_227 : memref<1x26x64xf32, #tpu.memory_space<vmem>> -> memref<26x64xf32, #tpu.memory_space<vmem>>
        %dma_start3A_229 = arith.constant 0 : i32
        %dma_start3A_230 = arith.constant 0 : i32
        %dma_start3A_231 = tpu.memref_slice %arg4[%add3A_173, %dma_start3A_229, %dma_start3A_230] : memref<16384x32x128xf32, #tpu.memory_space<hbm>> -> memref<1x26x64xf32, #tpu.memory_space<hbm>>
        %dma_start3A_232 = tpu.memref_squeeze %dma_start3A_231 : memref<1x26x64xf32, #tpu.memory_space<hbm>> -> memref<26x64xf32, #tpu.memory_space<hbm>>
        %dma_start3A_233 = arith.constant 0 : i32
        %dma_start3A_234 = arith.constant 0 : i32
        %dma_start3A_235 = tpu.memref_slice %arg4[%add3A_173, %dma_start3A_233, %dma_start3A_234] : memref<16384x32x128xf32, #tpu.memory_space<hbm>> -> memref<1x26x64xf32, #tpu.memory_space<hbm>>
        %dma_start3A_236 = tpu.memref_squeeze %dma_start3A_235 : memref<1x26x64xf32, #tpu.memory_space<hbm>> -> memref<26x64xf32, #tpu.memory_space<hbm>>
        %dma_start3A_237 = arith.constant 130 : i32
        %dma_start3A_238 = arith.constant 0 : i32
        %dma_start3A_239 = tpu.memref_slice %arg6[%and3A_116, %dma_start3A_237, %dma_start3A_238] : memref<2x416x64xf32, #tpu.memory_space<vmem>> -> memref<1x26x64xf32, #tpu.memory_space<vmem>>
        %dma_start3A_240 = tpu.memref_squeeze %dma_start3A_239 : memref<1x26x64xf32, #tpu.memory_space<vmem>> -> memref<26x64xf32, #tpu.memory_space<vmem>>
        tpu.enqueue_dma source(%dma_start3A_240 : memref<26x64xf32, #tpu.memory_space<vmem>>) target(%dma_start3A_236 : memref<26x64xf32, #tpu.memory_space<hbm>>) target_semaphore(%run_scoped3A_224 : memref<!tpu.dma_semaphore, #tpu.memory_space<semaphore_mem>>)
        %dma_wait3A_241 = arith.constant 130 : i32
        %dma_wait3A_242 = arith.constant 0 : i32
        %dma_wait3A_243 = tpu.memref_slice %arg6[%and3A_116, %dma_wait3A_241, %dma_wait3A_242] : memref<2x416x64xf32, #tpu.memory_space<vmem>> -> memref<1x26x64xf32, #tpu.memory_space<vmem>>
        %dma_wait3A_244 = tpu.memref_squeeze %dma_wait3A_243 : memref<1x26x64xf32, #tpu.memory_space<vmem>> -> memref<26x64xf32, #tpu.memory_space<vmem>>
        %dma_wait3A_245 = arith.constant 0 : i32
        %dma_wait3A_246 = arith.constant 0 : i32
        %dma_wait3A_247 = tpu.memref_slice %arg4[%add3A_173, %dma_wait3A_245, %dma_wait3A_246] : memref<16384x32x128xf32, #tpu.memory_space<hbm>> -> memref<1x26x64xf32, #tpu.memory_space<hbm>>
        %dma_wait3A_248 = tpu.memref_squeeze %dma_wait3A_247 : memref<1x26x64xf32, #tpu.memory_space<hbm>> -> memref<26x64xf32, #tpu.memory_space<hbm>>
        %dma_wait3A_249 = arith.constant 0 : i32
        %dma_wait3A_250 = arith.constant 0 : i32
        %dma_wait3A_251 = tpu.memref_slice %arg4[%add3A_173, %dma_wait3A_249, %dma_wait3A_250] : memref<16384x32x128xf32, #tpu.memory_space<hbm>> -> memref<1x26x64xf32, #tpu.memory_space<hbm>>
        %dma_wait3A_252 = tpu.memref_squeeze %dma_wait3A_251 : memref<1x26x64xf32, #tpu.memory_space<hbm>> -> memref<26x64xf32, #tpu.memory_space<hbm>>
        %dma_wait3A_253 = arith.constant 130 : i32
        %dma_wait3A_254 = arith.constant 0 : i32
        %dma_wait3A_255 = tpu.memref_slice %arg6[%and3A_116, %dma_wait3A_253, %dma_wait3A_254] : memref<2x416x64xf32, #tpu.memory_space<vmem>> -> memref<1x26x64xf32, #tpu.memory_space<vmem>>
        %dma_wait3A_256 = tpu.memref_squeeze %dma_wait3A_255 : memref<1x26x64xf32, #tpu.memory_space<vmem>> -> memref<26x64xf32, #tpu.memory_space<vmem>>
        tpu.wait_dma2 semaphore(%run_scoped3A_224 : memref<!tpu.dma_semaphore, #tpu.memory_space<semaphore_mem>>) src(%dma_wait3A_256 : memref<26x64xf32, #tpu.memory_space<vmem>>) dst(%dma_wait3A_252 : memref<26x64xf32, #tpu.memory_space<hbm>>)
        tpu.yield
      }) : () -> ()
      %mul3A_174 = arith.constant 16 : i32
      %mul3A_175 = arith.muli %scan3A_115, %mul3A_174 : i32
      %add3A_176 = arith.addi %mul3A_2, %mul3A_175 : i32
      %add3A_177 = arith.constant 6 : i32
      %add3A_178 = arith.addi %add3A_176, %add3A_177 : i32
      "tpu.region"() ({
        %run_scoped3A_224 = tpu.sem_alloc : memref<!tpu.dma_semaphore, #tpu.memory_space<semaphore_mem>>
        %dma_start3A_225 = arith.constant 156 : i32
        %dma_start3A_226 = arith.constant 0 : i32
        %dma_start3A_227 = tpu.memref_slice %arg6[%and3A_116, %dma_start3A_225, %dma_start3A_226] : memref<2x416x64xf32, #tpu.memory_space<vmem>> -> memref<1x26x64xf32, #tpu.memory_space<vmem>>
        %dma_start3A_228 = tpu.memref_squeeze %dma_start3A_227 : memref<1x26x64xf32, #tpu.memory_space<vmem>> -> memref<26x64xf32, #tpu.memory_space<vmem>>
        %dma_start3A_229 = arith.constant 0 : i32
        %dma_start3A_230 = arith.constant 0 : i32
        %dma_start3A_231 = tpu.memref_slice %arg4[%add3A_178, %dma_start3A_229, %dma_start3A_230] : memref<16384x32x128xf32, #tpu.memory_space<hbm>> -> memref<1x26x64xf32, #tpu.memory_space<hbm>>
        %dma_start3A_232 = tpu.memref_squeeze %dma_start3A_231 : memref<1x26x64xf32, #tpu.memory_space<hbm>> -> memref<26x64xf32, #tpu.memory_space<hbm>>
        %dma_start3A_233 = arith.constant 0 : i32
        %dma_start3A_234 = arith.constant 0 : i32
        %dma_start3A_235 = tpu.memref_slice %arg4[%add3A_178, %dma_start3A_233, %dma_start3A_234] : memref<16384x32x128xf32, #tpu.memory_space<hbm>> -> memref<1x26x64xf32, #tpu.memory_space<hbm>>
        %dma_start3A_236 = tpu.memref_squeeze %dma_start3A_235 : memref<1x26x64xf32, #tpu.memory_space<hbm>> -> memref<26x64xf32, #tpu.memory_space<hbm>>
        %dma_start3A_237 = arith.constant 156 : i32
        %dma_start3A_238 = arith.constant 0 : i32
        %dma_start3A_239 = tpu.memref_slice %arg6[%and3A_116, %dma_start3A_237, %dma_start3A_238] : memref<2x416x64xf32, #tpu.memory_space<vmem>> -> memref<1x26x64xf32, #tpu.memory_space<vmem>>
        %dma_start3A_240 = tpu.memref_squeeze %dma_start3A_239 : memref<1x26x64xf32, #tpu.memory_space<vmem>> -> memref<26x64xf32, #tpu.memory_space<vmem>>
        tpu.enqueue_dma source(%dma_start3A_240 : memref<26x64xf32, #tpu.memory_space<vmem>>) target(%dma_start3A_236 : memref<26x64xf32, #tpu.memory_space<hbm>>) target_semaphore(%run_scoped3A_224 : memref<!tpu.dma_semaphore, #tpu.memory_space<semaphore_mem>>)
        %dma_wait3A_241 = arith.constant 156 : i32
        %dma_wait3A_242 = arith.constant 0 : i32
        %dma_wait3A_243 = tpu.memref_slice %arg6[%and3A_116, %dma_wait3A_241, %dma_wait3A_242] : memref<2x416x64xf32, #tpu.memory_space<vmem>> -> memref<1x26x64xf32, #tpu.memory_space<vmem>>
        %dma_wait3A_244 = tpu.memref_squeeze %dma_wait3A_243 : memref<1x26x64xf32, #tpu.memory_space<vmem>> -> memref<26x64xf32, #tpu.memory_space<vmem>>
        %dma_wait3A_245 = arith.constant 0 : i32
        %dma_wait3A_246 = arith.constant 0 : i32
        %dma_wait3A_247 = tpu.memref_slice %arg4[%add3A_178, %dma_wait3A_245, %dma_wait3A_246] : memref<16384x32x128xf32, #tpu.memory_space<hbm>> -> memref<1x26x64xf32, #tpu.memory_space<hbm>>
        %dma_wait3A_248 = tpu.memref_squeeze %dma_wait3A_247 : memref<1x26x64xf32, #tpu.memory_space<hbm>> -> memref<26x64xf32, #tpu.memory_space<hbm>>
        %dma_wait3A_249 = arith.constant 0 : i32
        %dma_wait3A_250 = arith.constant 0 : i32
        %dma_wait3A_251 = tpu.memref_slice %arg4[%add3A_178, %dma_wait3A_249, %dma_wait3A_250] : memref<16384x32x128xf32, #tpu.memory_space<hbm>> -> memref<1x26x64xf32, #tpu.memory_space<hbm>>
        %dma_wait3A_252 = tpu.memref_squeeze %dma_wait3A_251 : memref<1x26x64xf32, #tpu.memory_space<hbm>> -> memref<26x64xf32, #tpu.memory_space<hbm>>
        %dma_wait3A_253 = arith.constant 156 : i32
        %dma_wait3A_254 = arith.constant 0 : i32
        %dma_wait3A_255 = tpu.memref_slice %arg6[%and3A_116, %dma_wait3A_253, %dma_wait3A_254] : memref<2x416x64xf32, #tpu.memory_space<vmem>> -> memref<1x26x64xf32, #tpu.memory_space<vmem>>
        %dma_wait3A_256 = tpu.memref_squeeze %dma_wait3A_255 : memref<1x26x64xf32, #tpu.memory_space<vmem>> -> memref<26x64xf32, #tpu.memory_space<vmem>>
        tpu.wait_dma2 semaphore(%run_scoped3A_224 : memref<!tpu.dma_semaphore, #tpu.memory_space<semaphore_mem>>) src(%dma_wait3A_256 : memref<26x64xf32, #tpu.memory_space<vmem>>) dst(%dma_wait3A_252 : memref<26x64xf32, #tpu.memory_space<hbm>>)
        tpu.yield
      }) : () -> ()
      %mul3A_179 = arith.constant 16 : i32
      %mul3A_180 = arith.muli %scan3A_115, %mul3A_179 : i32
      %add3A_181 = arith.addi %mul3A_2, %mul3A_180 : i32
      %add3A_182 = arith.constant 7 : i32
      %add3A_183 = arith.addi %add3A_181, %add3A_182 : i32
      "tpu.region"() ({
        %run_scoped3A_224 = tpu.sem_alloc : memref<!tpu.dma_semaphore, #tpu.memory_space<semaphore_mem>>
        %dma_start3A_225 = arith.constant 182 : i32
        %dma_start3A_226 = arith.constant 0 : i32
        %dma_start3A_227 = tpu.memref_slice %arg6[%and3A_116, %dma_start3A_225, %dma_start3A_226] : memref<2x416x64xf32, #tpu.memory_space<vmem>> -> memref<1x26x64xf32, #tpu.memory_space<vmem>>
        %dma_start3A_228 = tpu.memref_squeeze %dma_start3A_227 : memref<1x26x64xf32, #tpu.memory_space<vmem>> -> memref<26x64xf32, #tpu.memory_space<vmem>>
        %dma_start3A_229 = arith.constant 0 : i32
        %dma_start3A_230 = arith.constant 0 : i32
        %dma_start3A_231 = tpu.memref_slice %arg4[%add3A_183, %dma_start3A_229, %dma_start3A_230] : memref<16384x32x128xf32, #tpu.memory_space<hbm>> -> memref<1x26x64xf32, #tpu.memory_space<hbm>>
        %dma_start3A_232 = tpu.memref_squeeze %dma_start3A_231 : memref<1x26x64xf32, #tpu.memory_space<hbm>> -> memref<26x64xf32, #tpu.memory_space<hbm>>
        %dma_start3A_233 = arith.constant 0 : i32
        %dma_start3A_234 = arith.constant 0 : i32
        %dma_start3A_235 = tpu.memref_slice %arg4[%add3A_183, %dma_start3A_233, %dma_start3A_234] : memref<16384x32x128xf32, #tpu.memory_space<hbm>> -> memref<1x26x64xf32, #tpu.memory_space<hbm>>
        %dma_start3A_236 = tpu.memref_squeeze %dma_start3A_235 : memref<1x26x64xf32, #tpu.memory_space<hbm>> -> memref<26x64xf32, #tpu.memory_space<hbm>>
        %dma_start3A_237 = arith.constant 182 : i32
        %dma_start3A_238 = arith.constant 0 : i32
        %dma_start3A_239 = tpu.memref_slice %arg6[%and3A_116, %dma_start3A_237, %dma_start3A_238] : memref<2x416x64xf32, #tpu.memory_space<vmem>> -> memref<1x26x64xf32, #tpu.memory_space<vmem>>
        %dma_start3A_240 = tpu.memref_squeeze %dma_start3A_239 : memref<1x26x64xf32, #tpu.memory_space<vmem>> -> memref<26x64xf32, #tpu.memory_space<vmem>>
        tpu.enqueue_dma source(%dma_start3A_240 : memref<26x64xf32, #tpu.memory_space<vmem>>) target(%dma_start3A_236 : memref<26x64xf32, #tpu.memory_space<hbm>>) target_semaphore(%run_scoped3A_224 : memref<!tpu.dma_semaphore, #tpu.memory_space<semaphore_mem>>)
        %dma_wait3A_241 = arith.constant 182 : i32
        %dma_wait3A_242 = arith.constant 0 : i32
        %dma_wait3A_243 = tpu.memref_slice %arg6[%and3A_116, %dma_wait3A_241, %dma_wait3A_242] : memref<2x416x64xf32, #tpu.memory_space<vmem>> -> memref<1x26x64xf32, #tpu.memory_space<vmem>>
        %dma_wait3A_244 = tpu.memref_squeeze %dma_wait3A_243 : memref<1x26x64xf32, #tpu.memory_space<vmem>> -> memref<26x64xf32, #tpu.memory_space<vmem>>
        %dma_wait3A_245 = arith.constant 0 : i32
        %dma_wait3A_246 = arith.constant 0 : i32
        %dma_wait3A_247 = tpu.memref_slice %arg4[%add3A_183, %dma_wait3A_245, %dma_wait3A_246] : memref<16384x32x128xf32, #tpu.memory_space<hbm>> -> memref<1x26x64xf32, #tpu.memory_space<hbm>>
        %dma_wait3A_248 = tpu.memref_squeeze %dma_wait3A_247 : memref<1x26x64xf32, #tpu.memory_space<hbm>> -> memref<26x64xf32, #tpu.memory_space<hbm>>
        %dma_wait3A_249 = arith.constant 0 : i32
        %dma_wait3A_250 = arith.constant 0 : i32
        %dma_wait3A_251 = tpu.memref_slice %arg4[%add3A_183, %dma_wait3A_249, %dma_wait3A_250] : memref<16384x32x128xf32, #tpu.memory_space<hbm>> -> memref<1x26x64xf32, #tpu.memory_space<hbm>>
        %dma_wait3A_252 = tpu.memref_squeeze %dma_wait3A_251 : memref<1x26x64xf32, #tpu.memory_space<hbm>> -> memref<26x64xf32, #tpu.memory_space<hbm>>
        %dma_wait3A_253 = arith.constant 182 : i32
        %dma_wait3A_254 = arith.constant 0 : i32
        %dma_wait3A_255 = tpu.memref_slice %arg6[%and3A_116, %dma_wait3A_253, %dma_wait3A_254] : memref<2x416x64xf32, #tpu.memory_space<vmem>> -> memref<1x26x64xf32, #tpu.memory_space<vmem>>
        %dma_wait3A_256 = tpu.memref_squeeze %dma_wait3A_255 : memref<1x26x64xf32, #tpu.memory_space<vmem>> -> memref<26x64xf32, #tpu.memory_space<vmem>>
        tpu.wait_dma2 semaphore(%run_scoped3A_224 : memref<!tpu.dma_semaphore, #tpu.memory_space<semaphore_mem>>) src(%dma_wait3A_256 : memref<26x64xf32, #tpu.memory_space<vmem>>) dst(%dma_wait3A_252 : memref<26x64xf32, #tpu.memory_space<hbm>>)
        tpu.yield
      }) : () -> ()
      %mul3A_184 = arith.constant 16 : i32
      %mul3A_185 = arith.muli %scan3A_115, %mul3A_184 : i32
      %add3A_186 = arith.addi %mul3A_2, %mul3A_185 : i32
      %add3A_187 = arith.constant 8 : i32
      %add3A_188 = arith.addi %add3A_186, %add3A_187 : i32
      "tpu.region"() ({
        %run_scoped3A_224 = tpu.sem_alloc : memref<!tpu.dma_semaphore, #tpu.memory_space<semaphore_mem>>
        %dma_start3A_225 = arith.constant 208 : i32
        %dma_start3A_226 = arith.constant 0 : i32
        %dma_start3A_227 = tpu.memref_slice %arg6[%and3A_116, %dma_start3A_225, %dma_start3A_226] : memref<2x416x64xf32, #tpu.memory_space<vmem>> -> memref<1x26x64xf32, #tpu.memory_space<vmem>>
        %dma_start3A_228 = tpu.memref_squeeze %dma_start3A_227 : memref<1x26x64xf32, #tpu.memory_space<vmem>> -> memref<26x64xf32, #tpu.memory_space<vmem>>
        %dma_start3A_229 = arith.constant 0 : i32
        %dma_start3A_230 = arith.constant 0 : i32
        %dma_start3A_231 = tpu.memref_slice %arg4[%add3A_188, %dma_start3A_229, %dma_start3A_230] : memref<16384x32x128xf32, #tpu.memory_space<hbm>> -> memref<1x26x64xf32, #tpu.memory_space<hbm>>
        %dma_start3A_232 = tpu.memref_squeeze %dma_start3A_231 : memref<1x26x64xf32, #tpu.memory_space<hbm>> -> memref<26x64xf32, #tpu.memory_space<hbm>>
        %dma_start3A_233 = arith.constant 0 : i32
        %dma_start3A_234 = arith.constant 0 : i32
        %dma_start3A_235 = tpu.memref_slice %arg4[%add3A_188, %dma_start3A_233, %dma_start3A_234] : memref<16384x32x128xf32, #tpu.memory_space<hbm>> -> memref<1x26x64xf32, #tpu.memory_space<hbm>>
        %dma_start3A_236 = tpu.memref_squeeze %dma_start3A_235 : memref<1x26x64xf32, #tpu.memory_space<hbm>> -> memref<26x64xf32, #tpu.memory_space<hbm>>
        %dma_start3A_237 = arith.constant 208 : i32
        %dma_start3A_238 = arith.constant 0 : i32
        %dma_start3A_239 = tpu.memref_slice %arg6[%and3A_116, %dma_start3A_237, %dma_start3A_238] : memref<2x416x64xf32, #tpu.memory_space<vmem>> -> memref<1x26x64xf32, #tpu.memory_space<vmem>>
        %dma_start3A_240 = tpu.memref_squeeze %dma_start3A_239 : memref<1x26x64xf32, #tpu.memory_space<vmem>> -> memref<26x64xf32, #tpu.memory_space<vmem>>
        tpu.enqueue_dma source(%dma_start3A_240 : memref<26x64xf32, #tpu.memory_space<vmem>>) target(%dma_start3A_236 : memref<26x64xf32, #tpu.memory_space<hbm>>) target_semaphore(%run_scoped3A_224 : memref<!tpu.dma_semaphore, #tpu.memory_space<semaphore_mem>>)
        %dma_wait3A_241 = arith.constant 208 : i32
        %dma_wait3A_242 = arith.constant 0 : i32
        %dma_wait3A_243 = tpu.memref_slice %arg6[%and3A_116, %dma_wait3A_241, %dma_wait3A_242] : memref<2x416x64xf32, #tpu.memory_space<vmem>> -> memref<1x26x64xf32, #tpu.memory_space<vmem>>
        %dma_wait3A_244 = tpu.memref_squeeze %dma_wait3A_243 : memref<1x26x64xf32, #tpu.memory_space<vmem>> -> memref<26x64xf32, #tpu.memory_space<vmem>>
        %dma_wait3A_245 = arith.constant 0 : i32
        %dma_wait3A_246 = arith.constant 0 : i32
        %dma_wait3A_247 = tpu.memref_slice %arg4[%add3A_188, %dma_wait3A_245, %dma_wait3A_246] : memref<16384x32x128xf32, #tpu.memory_space<hbm>> -> memref<1x26x64xf32, #tpu.memory_space<hbm>>
        %dma_wait3A_248 = tpu.memref_squeeze %dma_wait3A_247 : memref<1x26x64xf32, #tpu.memory_space<hbm>> -> memref<26x64xf32, #tpu.memory_space<hbm>>
        %dma_wait3A_249 = arith.constant 0 : i32
        %dma_wait3A_250 = arith.constant 0 : i32
        %dma_wait3A_251 = tpu.memref_slice %arg4[%add3A_188, %dma_wait3A_249, %dma_wait3A_250] : memref<16384x32x128xf32, #tpu.memory_space<hbm>> -> memref<1x26x64xf32, #tpu.memory_space<hbm>>
        %dma_wait3A_252 = tpu.memref_squeeze %dma_wait3A_251 : memref<1x26x64xf32, #tpu.memory_space<hbm>> -> memref<26x64xf32, #tpu.memory_space<hbm>>
        %dma_wait3A_253 = arith.constant 208 : i32
        %dma_wait3A_254 = arith.constant 0 : i32
        %dma_wait3A_255 = tpu.memref_slice %arg6[%and3A_116, %dma_wait3A_253, %dma_wait3A_254] : memref<2x416x64xf32, #tpu.memory_space<vmem>> -> memref<1x26x64xf32, #tpu.memory_space<vmem>>
        %dma_wait3A_256 = tpu.memref_squeeze %dma_wait3A_255 : memref<1x26x64xf32, #tpu.memory_space<vmem>> -> memref<26x64xf32, #tpu.memory_space<vmem>>
        tpu.wait_dma2 semaphore(%run_scoped3A_224 : memref<!tpu.dma_semaphore, #tpu.memory_space<semaphore_mem>>) src(%dma_wait3A_256 : memref<26x64xf32, #tpu.memory_space<vmem>>) dst(%dma_wait3A_252 : memref<26x64xf32, #tpu.memory_space<hbm>>)
        tpu.yield
      }) : () -> ()
      %mul3A_189 = arith.constant 16 : i32
      %mul3A_190 = arith.muli %scan3A_115, %mul3A_189 : i32
      %add3A_191 = arith.addi %mul3A_2, %mul3A_190 : i32
      %add3A_192 = arith.constant 9 : i32
      %add3A_193 = arith.addi %add3A_191, %add3A_192 : i32
      "tpu.region"() ({
        %run_scoped3A_224 = tpu.sem_alloc : memref<!tpu.dma_semaphore, #tpu.memory_space<semaphore_mem>>
        %dma_start3A_225 = arith.constant 234 : i32
        %dma_start3A_226 = arith.constant 0 : i32
        %dma_start3A_227 = tpu.memref_slice %arg6[%and3A_116, %dma_start3A_225, %dma_start3A_226] : memref<2x416x64xf32, #tpu.memory_space<vmem>> -> memref<1x26x64xf32, #tpu.memory_space<vmem>>
        %dma_start3A_228 = tpu.memref_squeeze %dma_start3A_227 : memref<1x26x64xf32, #tpu.memory_space<vmem>> -> memref<26x64xf32, #tpu.memory_space<vmem>>
        %dma_start3A_229 = arith.constant 0 : i32
        %dma_start3A_230 = arith.constant 0 : i32
        %dma_start3A_231 = tpu.memref_slice %arg4[%add3A_193, %dma_start3A_229, %dma_start3A_230] : memref<16384x32x128xf32, #tpu.memory_space<hbm>> -> memref<1x26x64xf32, #tpu.memory_space<hbm>>
        %dma_start3A_232 = tpu.memref_squeeze %dma_start3A_231 : memref<1x26x64xf32, #tpu.memory_space<hbm>> -> memref<26x64xf32, #tpu.memory_space<hbm>>
        %dma_start3A_233 = arith.constant 0 : i32
        %dma_start3A_234 = arith.constant 0 : i32
        %dma_start3A_235 = tpu.memref_slice %arg4[%add3A_193, %dma_start3A_233, %dma_start3A_234] : memref<16384x32x128xf32, #tpu.memory_space<hbm>> -> memref<1x26x64xf32, #tpu.memory_space<hbm>>
        %dma_start3A_236 = tpu.memref_squeeze %dma_start3A_235 : memref<1x26x64xf32, #tpu.memory_space<hbm>> -> memref<26x64xf32, #tpu.memory_space<hbm>>
        %dma_start3A_237 = arith.constant 234 : i32
        %dma_start3A_238 = arith.constant 0 : i32
        %dma_start3A_239 = tpu.memref_slice %arg6[%and3A_116, %dma_start3A_237, %dma_start3A_238] : memref<2x416x64xf32, #tpu.memory_space<vmem>> -> memref<1x26x64xf32, #tpu.memory_space<vmem>>
        %dma_start3A_240 = tpu.memref_squeeze %dma_start3A_239 : memref<1x26x64xf32, #tpu.memory_space<vmem>> -> memref<26x64xf32, #tpu.memory_space<vmem>>
        tpu.enqueue_dma source(%dma_start3A_240 : memref<26x64xf32, #tpu.memory_space<vmem>>) target(%dma_start3A_236 : memref<26x64xf32, #tpu.memory_space<hbm>>) target_semaphore(%run_scoped3A_224 : memref<!tpu.dma_semaphore, #tpu.memory_space<semaphore_mem>>)
        %dma_wait3A_241 = arith.constant 234 : i32
        %dma_wait3A_242 = arith.constant 0 : i32
        %dma_wait3A_243 = tpu.memref_slice %arg6[%and3A_116, %dma_wait3A_241, %dma_wait3A_242] : memref<2x416x64xf32, #tpu.memory_space<vmem>> -> memref<1x26x64xf32, #tpu.memory_space<vmem>>
        %dma_wait3A_244 = tpu.memref_squeeze %dma_wait3A_243 : memref<1x26x64xf32, #tpu.memory_space<vmem>> -> memref<26x64xf32, #tpu.memory_space<vmem>>
        %dma_wait3A_245 = arith.constant 0 : i32
        %dma_wait3A_246 = arith.constant 0 : i32
        %dma_wait3A_247 = tpu.memref_slice %arg4[%add3A_193, %dma_wait3A_245, %dma_wait3A_246] : memref<16384x32x128xf32, #tpu.memory_space<hbm>> -> memref<1x26x64xf32, #tpu.memory_space<hbm>>
        %dma_wait3A_248 = tpu.memref_squeeze %dma_wait3A_247 : memref<1x26x64xf32, #tpu.memory_space<hbm>> -> memref<26x64xf32, #tpu.memory_space<hbm>>
        %dma_wait3A_249 = arith.constant 0 : i32
        %dma_wait3A_250 = arith.constant 0 : i32
        %dma_wait3A_251 = tpu.memref_slice %arg4[%add3A_193, %dma_wait3A_249, %dma_wait3A_250] : memref<16384x32x128xf32, #tpu.memory_space<hbm>> -> memref<1x26x64xf32, #tpu.memory_space<hbm>>
        %dma_wait3A_252 = tpu.memref_squeeze %dma_wait3A_251 : memref<1x26x64xf32, #tpu.memory_space<hbm>> -> memref<26x64xf32, #tpu.memory_space<hbm>>
        %dma_wait3A_253 = arith.constant 234 : i32
        %dma_wait3A_254 = arith.constant 0 : i32
        %dma_wait3A_255 = tpu.memref_slice %arg6[%and3A_116, %dma_wait3A_253, %dma_wait3A_254] : memref<2x416x64xf32, #tpu.memory_space<vmem>> -> memref<1x26x64xf32, #tpu.memory_space<vmem>>
        %dma_wait3A_256 = tpu.memref_squeeze %dma_wait3A_255 : memref<1x26x64xf32, #tpu.memory_space<vmem>> -> memref<26x64xf32, #tpu.memory_space<vmem>>
        tpu.wait_dma2 semaphore(%run_scoped3A_224 : memref<!tpu.dma_semaphore, #tpu.memory_space<semaphore_mem>>) src(%dma_wait3A_256 : memref<26x64xf32, #tpu.memory_space<vmem>>) dst(%dma_wait3A_252 : memref<26x64xf32, #tpu.memory_space<hbm>>)
        tpu.yield
      }) : () -> ()
      %mul3A_194 = arith.constant 16 : i32
      %mul3A_195 = arith.muli %scan3A_115, %mul3A_194 : i32
      %add3A_196 = arith.addi %mul3A_2, %mul3A_195 : i32
      %add3A_197 = arith.constant 10 : i32
      %add3A_198 = arith.addi %add3A_196, %add3A_197 : i32
      "tpu.region"() ({
        %run_scoped3A_224 = tpu.sem_alloc : memref<!tpu.dma_semaphore, #tpu.memory_space<semaphore_mem>>
        %dma_start3A_225 = arith.constant 260 : i32
        %dma_start3A_226 = arith.constant 0 : i32
        %dma_start3A_227 = tpu.memref_slice %arg6[%and3A_116, %dma_start3A_225, %dma_start3A_226] : memref<2x416x64xf32, #tpu.memory_space<vmem>> -> memref<1x26x64xf32, #tpu.memory_space<vmem>>
        %dma_start3A_228 = tpu.memref_squeeze %dma_start3A_227 : memref<1x26x64xf32, #tpu.memory_space<vmem>> -> memref<26x64xf32, #tpu.memory_space<vmem>>
        %dma_start3A_229 = arith.constant 0 : i32
        %dma_start3A_230 = arith.constant 0 : i32
        %dma_start3A_231 = tpu.memref_slice %arg4[%add3A_198, %dma_start3A_229, %dma_start3A_230] : memref<16384x32x128xf32, #tpu.memory_space<hbm>> -> memref<1x26x64xf32, #tpu.memory_space<hbm>>
        %dma_start3A_232 = tpu.memref_squeeze %dma_start3A_231 : memref<1x26x64xf32, #tpu.memory_space<hbm>> -> memref<26x64xf32, #tpu.memory_space<hbm>>
        %dma_start3A_233 = arith.constant 0 : i32
        %dma_start3A_234 = arith.constant 0 : i32
        %dma_start3A_235 = tpu.memref_slice %arg4[%add3A_198, %dma_start3A_233, %dma_start3A_234] : memref<16384x32x128xf32, #tpu.memory_space<hbm>> -> memref<1x26x64xf32, #tpu.memory_space<hbm>>
        %dma_start3A_236 = tpu.memref_squeeze %dma_start3A_235 : memref<1x26x64xf32, #tpu.memory_space<hbm>> -> memref<26x64xf32, #tpu.memory_space<hbm>>
        %dma_start3A_237 = arith.constant 260 : i32
        %dma_start3A_238 = arith.constant 0 : i32
        %dma_start3A_239 = tpu.memref_slice %arg6[%and3A_116, %dma_start3A_237, %dma_start3A_238] : memref<2x416x64xf32, #tpu.memory_space<vmem>> -> memref<1x26x64xf32, #tpu.memory_space<vmem>>
        %dma_start3A_240 = tpu.memref_squeeze %dma_start3A_239 : memref<1x26x64xf32, #tpu.memory_space<vmem>> -> memref<26x64xf32, #tpu.memory_space<vmem>>
        tpu.enqueue_dma source(%dma_start3A_240 : memref<26x64xf32, #tpu.memory_space<vmem>>) target(%dma_start3A_236 : memref<26x64xf32, #tpu.memory_space<hbm>>) target_semaphore(%run_scoped3A_224 : memref<!tpu.dma_semaphore, #tpu.memory_space<semaphore_mem>>)
        %dma_wait3A_241 = arith.constant 260 : i32
        %dma_wait3A_242 = arith.constant 0 : i32
        %dma_wait3A_243 = tpu.memref_slice %arg6[%and3A_116, %dma_wait3A_241, %dma_wait3A_242] : memref<2x416x64xf32, #tpu.memory_space<vmem>> -> memref<1x26x64xf32, #tpu.memory_space<vmem>>
        %dma_wait3A_244 = tpu.memref_squeeze %dma_wait3A_243 : memref<1x26x64xf32, #tpu.memory_space<vmem>> -> memref<26x64xf32, #tpu.memory_space<vmem>>
        %dma_wait3A_245 = arith.constant 0 : i32
        %dma_wait3A_246 = arith.constant 0 : i32
        %dma_wait3A_247 = tpu.memref_slice %arg4[%add3A_198, %dma_wait3A_245, %dma_wait3A_246] : memref<16384x32x128xf32, #tpu.memory_space<hbm>> -> memref<1x26x64xf32, #tpu.memory_space<hbm>>
        %dma_wait3A_248 = tpu.memref_squeeze %dma_wait3A_247 : memref<1x26x64xf32, #tpu.memory_space<hbm>> -> memref<26x64xf32, #tpu.memory_space<hbm>>
        %dma_wait3A_249 = arith.constant 0 : i32
        %dma_wait3A_250 = arith.constant 0 : i32
        %dma_wait3A_251 = tpu.memref_slice %arg4[%add3A_198, %dma_wait3A_249, %dma_wait3A_250] : memref<16384x32x128xf32, #tpu.memory_space<hbm>> -> memref<1x26x64xf32, #tpu.memory_space<hbm>>
        %dma_wait3A_252 = tpu.memref_squeeze %dma_wait3A_251 : memref<1x26x64xf32, #tpu.memory_space<hbm>> -> memref<26x64xf32, #tpu.memory_space<hbm>>
        %dma_wait3A_253 = arith.constant 260 : i32
        %dma_wait3A_254 = arith.constant 0 : i32
        %dma_wait3A_255 = tpu.memref_slice %arg6[%and3A_116, %dma_wait3A_253, %dma_wait3A_254] : memref<2x416x64xf32, #tpu.memory_space<vmem>> -> memref<1x26x64xf32, #tpu.memory_space<vmem>>
        %dma_wait3A_256 = tpu.memref_squeeze %dma_wait3A_255 : memref<1x26x64xf32, #tpu.memory_space<vmem>> -> memref<26x64xf32, #tpu.memory_space<vmem>>
        tpu.wait_dma2 semaphore(%run_scoped3A_224 : memref<!tpu.dma_semaphore, #tpu.memory_space<semaphore_mem>>) src(%dma_wait3A_256 : memref<26x64xf32, #tpu.memory_space<vmem>>) dst(%dma_wait3A_252 : memref<26x64xf32, #tpu.memory_space<hbm>>)
        tpu.yield
      }) : () -> ()
      %mul3A_199 = arith.constant 16 : i32
      %mul3A_200 = arith.muli %scan3A_115, %mul3A_199 : i32
      %add3A_201 = arith.addi %mul3A_2, %mul3A_200 : i32
      %add3A_202 = arith.constant 11 : i32
      %add3A_203 = arith.addi %add3A_201, %add3A_202 : i32
      "tpu.region"() ({
        %run_scoped3A_224 = tpu.sem_alloc : memref<!tpu.dma_semaphore, #tpu.memory_space<semaphore_mem>>
        %dma_start3A_225 = arith.constant 286 : i32
        %dma_start3A_226 = arith.constant 0 : i32
        %dma_start3A_227 = tpu.memref_slice %arg6[%and3A_116, %dma_start3A_225, %dma_start3A_226] : memref<2x416x64xf32, #tpu.memory_space<vmem>> -> memref<1x26x64xf32, #tpu.memory_space<vmem>>
        %dma_start3A_228 = tpu.memref_squeeze %dma_start3A_227 : memref<1x26x64xf32, #tpu.memory_space<vmem>> -> memref<26x64xf32, #tpu.memory_space<vmem>>
        %dma_start3A_229 = arith.constant 0 : i32
        %dma_start3A_230 = arith.constant 0 : i32
        %dma_start3A_231 = tpu.memref_slice %arg4[%add3A_203, %dma_start3A_229, %dma_start3A_230] : memref<16384x32x128xf32, #tpu.memory_space<hbm>> -> memref<1x26x64xf32, #tpu.memory_space<hbm>>
        %dma_start3A_232 = tpu.memref_squeeze %dma_start3A_231 : memref<1x26x64xf32, #tpu.memory_space<hbm>> -> memref<26x64xf32, #tpu.memory_space<hbm>>
        %dma_start3A_233 = arith.constant 0 : i32
        %dma_start3A_234 = arith.constant 0 : i32
        %dma_start3A_235 = tpu.memref_slice %arg4[%add3A_203, %dma_start3A_233, %dma_start3A_234] : memref<16384x32x128xf32, #tpu.memory_space<hbm>> -> memref<1x26x64xf32, #tpu.memory_space<hbm>>
        %dma_start3A_236 = tpu.memref_squeeze %dma_start3A_235 : memref<1x26x64xf32, #tpu.memory_space<hbm>> -> memref<26x64xf32, #tpu.memory_space<hbm>>
        %dma_start3A_237 = arith.constant 286 : i32
        %dma_start3A_238 = arith.constant 0 : i32
        %dma_start3A_239 = tpu.memref_slice %arg6[%and3A_116, %dma_start3A_237, %dma_start3A_238] : memref<2x416x64xf32, #tpu.memory_space<vmem>> -> memref<1x26x64xf32, #tpu.memory_space<vmem>>
        %dma_start3A_240 = tpu.memref_squeeze %dma_start3A_239 : memref<1x26x64xf32, #tpu.memory_space<vmem>> -> memref<26x64xf32, #tpu.memory_space<vmem>>
        tpu.enqueue_dma source(%dma_start3A_240 : memref<26x64xf32, #tpu.memory_space<vmem>>) target(%dma_start3A_236 : memref<26x64xf32, #tpu.memory_space<hbm>>) target_semaphore(%run_scoped3A_224 : memref<!tpu.dma_semaphore, #tpu.memory_space<semaphore_mem>>)
        %dma_wait3A_241 = arith.constant 286 : i32
        %dma_wait3A_242 = arith.constant 0 : i32
        %dma_wait3A_243 = tpu.memref_slice %arg6[%and3A_116, %dma_wait3A_241, %dma_wait3A_242] : memref<2x416x64xf32, #tpu.memory_space<vmem>> -> memref<1x26x64xf32, #tpu.memory_space<vmem>>
        %dma_wait3A_244 = tpu.memref_squeeze %dma_wait3A_243 : memref<1x26x64xf32, #tpu.memory_space<vmem>> -> memref<26x64xf32, #tpu.memory_space<vmem>>
        %dma_wait3A_245 = arith.constant 0 : i32
        %dma_wait3A_246 = arith.constant 0 : i32
        %dma_wait3A_247 = tpu.memref_slice %arg4[%add3A_203, %dma_wait3A_245, %dma_wait3A_246] : memref<16384x32x128xf32, #tpu.memory_space<hbm>> -> memref<1x26x64xf32, #tpu.memory_space<hbm>>
        %dma_wait3A_248 = tpu.memref_squeeze %dma_wait3A_247 : memref<1x26x64xf32, #tpu.memory_space<hbm>> -> memref<26x64xf32, #tpu.memory_space<hbm>>
        %dma_wait3A_249 = arith.constant 0 : i32
        %dma_wait3A_250 = arith.constant 0 : i32
        %dma_wait3A_251 = tpu.memref_slice %arg4[%add3A_203, %dma_wait3A_249, %dma_wait3A_250] : memref<16384x32x128xf32, #tpu.memory_space<hbm>> -> memref<1x26x64xf32, #tpu.memory_space<hbm>>
        %dma_wait3A_252 = tpu.memref_squeeze %dma_wait3A_251 : memref<1x26x64xf32, #tpu.memory_space<hbm>> -> memref<26x64xf32, #tpu.memory_space<hbm>>
        %dma_wait3A_253 = arith.constant 286 : i32
        %dma_wait3A_254 = arith.constant 0 : i32
        %dma_wait3A_255 = tpu.memref_slice %arg6[%and3A_116, %dma_wait3A_253, %dma_wait3A_254] : memref<2x416x64xf32, #tpu.memory_space<vmem>> -> memref<1x26x64xf32, #tpu.memory_space<vmem>>
        %dma_wait3A_256 = tpu.memref_squeeze %dma_wait3A_255 : memref<1x26x64xf32, #tpu.memory_space<vmem>> -> memref<26x64xf32, #tpu.memory_space<vmem>>
        tpu.wait_dma2 semaphore(%run_scoped3A_224 : memref<!tpu.dma_semaphore, #tpu.memory_space<semaphore_mem>>) src(%dma_wait3A_256 : memref<26x64xf32, #tpu.memory_space<vmem>>) dst(%dma_wait3A_252 : memref<26x64xf32, #tpu.memory_space<hbm>>)
        tpu.yield
      }) : () -> ()
      %mul3A_204 = arith.constant 16 : i32
      %mul3A_205 = arith.muli %scan3A_115, %mul3A_204 : i32
      %add3A_206 = arith.addi %mul3A_2, %mul3A_205 : i32
      %add3A_207 = arith.constant 12 : i32
      %add3A_208 = arith.addi %add3A_206, %add3A_207 : i32
      "tpu.region"() ({
        %run_scoped3A_224 = tpu.sem_alloc : memref<!tpu.dma_semaphore, #tpu.memory_space<semaphore_mem>>
        %dma_start3A_225 = arith.constant 312 : i32
        %dma_start3A_226 = arith.constant 0 : i32
        %dma_start3A_227 = tpu.memref_slice %arg6[%and3A_116, %dma_start3A_225, %dma_start3A_226] : memref<2x416x64xf32, #tpu.memory_space<vmem>> -> memref<1x26x64xf32, #tpu.memory_space<vmem>>
        %dma_start3A_228 = tpu.memref_squeeze %dma_start3A_227 : memref<1x26x64xf32, #tpu.memory_space<vmem>> -> memref<26x64xf32, #tpu.memory_space<vmem>>
        %dma_start3A_229 = arith.constant 0 : i32
        %dma_start3A_230 = arith.constant 0 : i32
        %dma_start3A_231 = tpu.memref_slice %arg4[%add3A_208, %dma_start3A_229, %dma_start3A_230] : memref<16384x32x128xf32, #tpu.memory_space<hbm>> -> memref<1x26x64xf32, #tpu.memory_space<hbm>>
        %dma_start3A_232 = tpu.memref_squeeze %dma_start3A_231 : memref<1x26x64xf32, #tpu.memory_space<hbm>> -> memref<26x64xf32, #tpu.memory_space<hbm>>
        %dma_start3A_233 = arith.constant 0 : i32
        %dma_start3A_234 = arith.constant 0 : i32
        %dma_start3A_235 = tpu.memref_slice %arg4[%add3A_208, %dma_start3A_233, %dma_start3A_234] : memref<16384x32x128xf32, #tpu.memory_space<hbm>> -> memref<1x26x64xf32, #tpu.memory_space<hbm>>
        %dma_start3A_236 = tpu.memref_squeeze %dma_start3A_235 : memref<1x26x64xf32, #tpu.memory_space<hbm>> -> memref<26x64xf32, #tpu.memory_space<hbm>>
        %dma_start3A_237 = arith.constant 312 : i32
        %dma_start3A_238 = arith.constant 0 : i32
        %dma_start3A_239 = tpu.memref_slice %arg6[%and3A_116, %dma_start3A_237, %dma_start3A_238] : memref<2x416x64xf32, #tpu.memory_space<vmem>> -> memref<1x26x64xf32, #tpu.memory_space<vmem>>
        %dma_start3A_240 = tpu.memref_squeeze %dma_start3A_239 : memref<1x26x64xf32, #tpu.memory_space<vmem>> -> memref<26x64xf32, #tpu.memory_space<vmem>>
        tpu.enqueue_dma source(%dma_start3A_240 : memref<26x64xf32, #tpu.memory_space<vmem>>) target(%dma_start3A_236 : memref<26x64xf32, #tpu.memory_space<hbm>>) target_semaphore(%run_scoped3A_224 : memref<!tpu.dma_semaphore, #tpu.memory_space<semaphore_mem>>)
        %dma_wait3A_241 = arith.constant 312 : i32
        %dma_wait3A_242 = arith.constant 0 : i32
        %dma_wait3A_243 = tpu.memref_slice %arg6[%and3A_116, %dma_wait3A_241, %dma_wait3A_242] : memref<2x416x64xf32, #tpu.memory_space<vmem>> -> memref<1x26x64xf32, #tpu.memory_space<vmem>>
        %dma_wait3A_244 = tpu.memref_squeeze %dma_wait3A_243 : memref<1x26x64xf32, #tpu.memory_space<vmem>> -> memref<26x64xf32, #tpu.memory_space<vmem>>
        %dma_wait3A_245 = arith.constant 0 : i32
        %dma_wait3A_246 = arith.constant 0 : i32
        %dma_wait3A_247 = tpu.memref_slice %arg4[%add3A_208, %dma_wait3A_245, %dma_wait3A_246] : memref<16384x32x128xf32, #tpu.memory_space<hbm>> -> memref<1x26x64xf32, #tpu.memory_space<hbm>>
        %dma_wait3A_248 = tpu.memref_squeeze %dma_wait3A_247 : memref<1x26x64xf32, #tpu.memory_space<hbm>> -> memref<26x64xf32, #tpu.memory_space<hbm>>
        %dma_wait3A_249 = arith.constant 0 : i32
        %dma_wait3A_250 = arith.constant 0 : i32
        %dma_wait3A_251 = tpu.memref_slice %arg4[%add3A_208, %dma_wait3A_249, %dma_wait3A_250] : memref<16384x32x128xf32, #tpu.memory_space<hbm>> -> memref<1x26x64xf32, #tpu.memory_space<hbm>>
        %dma_wait3A_252 = tpu.memref_squeeze %dma_wait3A_251 : memref<1x26x64xf32, #tpu.memory_space<hbm>> -> memref<26x64xf32, #tpu.memory_space<hbm>>
        %dma_wait3A_253 = arith.constant 312 : i32
        %dma_wait3A_254 = arith.constant 0 : i32
        %dma_wait3A_255 = tpu.memref_slice %arg6[%and3A_116, %dma_wait3A_253, %dma_wait3A_254] : memref<2x416x64xf32, #tpu.memory_space<vmem>> -> memref<1x26x64xf32, #tpu.memory_space<vmem>>
        %dma_wait3A_256 = tpu.memref_squeeze %dma_wait3A_255 : memref<1x26x64xf32, #tpu.memory_space<vmem>> -> memref<26x64xf32, #tpu.memory_space<vmem>>
        tpu.wait_dma2 semaphore(%run_scoped3A_224 : memref<!tpu.dma_semaphore, #tpu.memory_space<semaphore_mem>>) src(%dma_wait3A_256 : memref<26x64xf32, #tpu.memory_space<vmem>>) dst(%dma_wait3A_252 : memref<26x64xf32, #tpu.memory_space<hbm>>)
        tpu.yield
      }) : () -> ()
      %mul3A_209 = arith.constant 16 : i32
      %mul3A_210 = arith.muli %scan3A_115, %mul3A_209 : i32
      %add3A_211 = arith.addi %mul3A_2, %mul3A_210 : i32
      %add3A_212 = arith.constant 13 : i32
      %add3A_213 = arith.addi %add3A_211, %add3A_212 : i32
      "tpu.region"() ({
        %run_scoped3A_224 = tpu.sem_alloc : memref<!tpu.dma_semaphore, #tpu.memory_space<semaphore_mem>>
        %dma_start3A_225 = arith.constant 338 : i32
        %dma_start3A_226 = arith.constant 0 : i32
        %dma_start3A_227 = tpu.memref_slice %arg6[%and3A_116, %dma_start3A_225, %dma_start3A_226] : memref<2x416x64xf32, #tpu.memory_space<vmem>> -> memref<1x26x64xf32, #tpu.memory_space<vmem>>
        %dma_start3A_228 = tpu.memref_squeeze %dma_start3A_227 : memref<1x26x64xf32, #tpu.memory_space<vmem>> -> memref<26x64xf32, #tpu.memory_space<vmem>>
        %dma_start3A_229 = arith.constant 0 : i32
        %dma_start3A_230 = arith.constant 0 : i32
        %dma_start3A_231 = tpu.memref_slice %arg4[%add3A_213, %dma_start3A_229, %dma_start3A_230] : memref<16384x32x128xf32, #tpu.memory_space<hbm>> -> memref<1x26x64xf32, #tpu.memory_space<hbm>>
        %dma_start3A_232 = tpu.memref_squeeze %dma_start3A_231 : memref<1x26x64xf32, #tpu.memory_space<hbm>> -> memref<26x64xf32, #tpu.memory_space<hbm>>
        %dma_start3A_233 = arith.constant 0 : i32
        %dma_start3A_234 = arith.constant 0 : i32
        %dma_start3A_235 = tpu.memref_slice %arg4[%add3A_213, %dma_start3A_233, %dma_start3A_234] : memref<16384x32x128xf32, #tpu.memory_space<hbm>> -> memref<1x26x64xf32, #tpu.memory_space<hbm>>
        %dma_start3A_236 = tpu.memref_squeeze %dma_start3A_235 : memref<1x26x64xf32, #tpu.memory_space<hbm>> -> memref<26x64xf32, #tpu.memory_space<hbm>>
        %dma_start3A_237 = arith.constant 338 : i32
        %dma_start3A_238 = arith.constant 0 : i32
        %dma_start3A_239 = tpu.memref_slice %arg6[%and3A_116, %dma_start3A_237, %dma_start3A_238] : memref<2x416x64xf32, #tpu.memory_space<vmem>> -> memref<1x26x64xf32, #tpu.memory_space<vmem>>
        %dma_start3A_240 = tpu.memref_squeeze %dma_start3A_239 : memref<1x26x64xf32, #tpu.memory_space<vmem>> -> memref<26x64xf32, #tpu.memory_space<vmem>>
        tpu.enqueue_dma source(%dma_start3A_240 : memref<26x64xf32, #tpu.memory_space<vmem>>) target(%dma_start3A_236 : memref<26x64xf32, #tpu.memory_space<hbm>>) target_semaphore(%run_scoped3A_224 : memref<!tpu.dma_semaphore, #tpu.memory_space<semaphore_mem>>)
        %dma_wait3A_241 = arith.constant 338 : i32
        %dma_wait3A_242 = arith.constant 0 : i32
        %dma_wait3A_243 = tpu.memref_slice %arg6[%and3A_116, %dma_wait3A_241, %dma_wait3A_242] : memref<2x416x64xf32, #tpu.memory_space<vmem>> -> memref<1x26x64xf32, #tpu.memory_space<vmem>>
        %dma_wait3A_244 = tpu.memref_squeeze %dma_wait3A_243 : memref<1x26x64xf32, #tpu.memory_space<vmem>> -> memref<26x64xf32, #tpu.memory_space<vmem>>
        %dma_wait3A_245 = arith.constant 0 : i32
        %dma_wait3A_246 = arith.constant 0 : i32
        %dma_wait3A_247 = tpu.memref_slice %arg4[%add3A_213, %dma_wait3A_245, %dma_wait3A_246] : memref<16384x32x128xf32, #tpu.memory_space<hbm>> -> memref<1x26x64xf32, #tpu.memory_space<hbm>>
        %dma_wait3A_248 = tpu.memref_squeeze %dma_wait3A_247 : memref<1x26x64xf32, #tpu.memory_space<hbm>> -> memref<26x64xf32, #tpu.memory_space<hbm>>
        %dma_wait3A_249 = arith.constant 0 : i32
        %dma_wait3A_250 = arith.constant 0 : i32
        %dma_wait3A_251 = tpu.memref_slice %arg4[%add3A_213, %dma_wait3A_249, %dma_wait3A_250] : memref<16384x32x128xf32, #tpu.memory_space<hbm>> -> memref<1x26x64xf32, #tpu.memory_space<hbm>>
        %dma_wait3A_252 = tpu.memref_squeeze %dma_wait3A_251 : memref<1x26x64xf32, #tpu.memory_space<hbm>> -> memref<26x64xf32, #tpu.memory_space<hbm>>
        %dma_wait3A_253 = arith.constant 338 : i32
        %dma_wait3A_254 = arith.constant 0 : i32
        %dma_wait3A_255 = tpu.memref_slice %arg6[%and3A_116, %dma_wait3A_253, %dma_wait3A_254] : memref<2x416x64xf32, #tpu.memory_space<vmem>> -> memref<1x26x64xf32, #tpu.memory_space<vmem>>
        %dma_wait3A_256 = tpu.memref_squeeze %dma_wait3A_255 : memref<1x26x64xf32, #tpu.memory_space<vmem>> -> memref<26x64xf32, #tpu.memory_space<vmem>>
        tpu.wait_dma2 semaphore(%run_scoped3A_224 : memref<!tpu.dma_semaphore, #tpu.memory_space<semaphore_mem>>) src(%dma_wait3A_256 : memref<26x64xf32, #tpu.memory_space<vmem>>) dst(%dma_wait3A_252 : memref<26x64xf32, #tpu.memory_space<hbm>>)
        tpu.yield
      }) : () -> ()
      %mul3A_214 = arith.constant 16 : i32
      %mul3A_215 = arith.muli %scan3A_115, %mul3A_214 : i32
      %add3A_216 = arith.addi %mul3A_2, %mul3A_215 : i32
      %add3A_217 = arith.constant 14 : i32
      %add3A_218 = arith.addi %add3A_216, %add3A_217 : i32
      "tpu.region"() ({
        %run_scoped3A_224 = tpu.sem_alloc : memref<!tpu.dma_semaphore, #tpu.memory_space<semaphore_mem>>
        %dma_start3A_225 = arith.constant 364 : i32
        %dma_start3A_226 = arith.constant 0 : i32
        %dma_start3A_227 = tpu.memref_slice %arg6[%and3A_116, %dma_start3A_225, %dma_start3A_226] : memref<2x416x64xf32, #tpu.memory_space<vmem>> -> memref<1x26x64xf32, #tpu.memory_space<vmem>>
        %dma_start3A_228 = tpu.memref_squeeze %dma_start3A_227 : memref<1x26x64xf32, #tpu.memory_space<vmem>> -> memref<26x64xf32, #tpu.memory_space<vmem>>
        %dma_start3A_229 = arith.constant 0 : i32
        %dma_start3A_230 = arith.constant 0 : i32
        %dma_start3A_231 = tpu.memref_slice %arg4[%add3A_218, %dma_start3A_229, %dma_start3A_230] : memref<16384x32x128xf32, #tpu.memory_space<hbm>> -> memref<1x26x64xf32, #tpu.memory_space<hbm>>
        %dma_start3A_232 = tpu.memref_squeeze %dma_start3A_231 : memref<1x26x64xf32, #tpu.memory_space<hbm>> -> memref<26x64xf32, #tpu.memory_space<hbm>>
        %dma_start3A_233 = arith.constant 0 : i32
        %dma_start3A_234 = arith.constant 0 : i32
        %dma_start3A_235 = tpu.memref_slice %arg4[%add3A_218, %dma_start3A_233, %dma_start3A_234] : memref<16384x32x128xf32, #tpu.memory_space<hbm>> -> memref<1x26x64xf32, #tpu.memory_space<hbm>>
        %dma_start3A_236 = tpu.memref_squeeze %dma_start3A_235 : memref<1x26x64xf32, #tpu.memory_space<hbm>> -> memref<26x64xf32, #tpu.memory_space<hbm>>
        %dma_start3A_237 = arith.constant 364 : i32
        %dma_start3A_238 = arith.constant 0 : i32
        %dma_start3A_239 = tpu.memref_slice %arg6[%and3A_116, %dma_start3A_237, %dma_start3A_238] : memref<2x416x64xf32, #tpu.memory_space<vmem>> -> memref<1x26x64xf32, #tpu.memory_space<vmem>>
        %dma_start3A_240 = tpu.memref_squeeze %dma_start3A_239 : memref<1x26x64xf32, #tpu.memory_space<vmem>> -> memref<26x64xf32, #tpu.memory_space<vmem>>
        tpu.enqueue_dma source(%dma_start3A_240 : memref<26x64xf32, #tpu.memory_space<vmem>>) target(%dma_start3A_236 : memref<26x64xf32, #tpu.memory_space<hbm>>) target_semaphore(%run_scoped3A_224 : memref<!tpu.dma_semaphore, #tpu.memory_space<semaphore_mem>>)
        %dma_wait3A_241 = arith.constant 364 : i32
        %dma_wait3A_242 = arith.constant 0 : i32
        %dma_wait3A_243 = tpu.memref_slice %arg6[%and3A_116, %dma_wait3A_241, %dma_wait3A_242] : memref<2x416x64xf32, #tpu.memory_space<vmem>> -> memref<1x26x64xf32, #tpu.memory_space<vmem>>
        %dma_wait3A_244 = tpu.memref_squeeze %dma_wait3A_243 : memref<1x26x64xf32, #tpu.memory_space<vmem>> -> memref<26x64xf32, #tpu.memory_space<vmem>>
        %dma_wait3A_245 = arith.constant 0 : i32
        %dma_wait3A_246 = arith.constant 0 : i32
        %dma_wait3A_247 = tpu.memref_slice %arg4[%add3A_218, %dma_wait3A_245, %dma_wait3A_246] : memref<16384x32x128xf32, #tpu.memory_space<hbm>> -> memref<1x26x64xf32, #tpu.memory_space<hbm>>
        %dma_wait3A_248 = tpu.memref_squeeze %dma_wait3A_247 : memref<1x26x64xf32, #tpu.memory_space<hbm>> -> memref<26x64xf32, #tpu.memory_space<hbm>>
        %dma_wait3A_249 = arith.constant 0 : i32
        %dma_wait3A_250 = arith.constant 0 : i32
        %dma_wait3A_251 = tpu.memref_slice %arg4[%add3A_218, %dma_wait3A_249, %dma_wait3A_250] : memref<16384x32x128xf32, #tpu.memory_space<hbm>> -> memref<1x26x64xf32, #tpu.memory_space<hbm>>
        %dma_wait3A_252 = tpu.memref_squeeze %dma_wait3A_251 : memref<1x26x64xf32, #tpu.memory_space<hbm>> -> memref<26x64xf32, #tpu.memory_space<hbm>>
        %dma_wait3A_253 = arith.constant 364 : i32
        %dma_wait3A_254 = arith.constant 0 : i32
        %dma_wait3A_255 = tpu.memref_slice %arg6[%and3A_116, %dma_wait3A_253, %dma_wait3A_254] : memref<2x416x64xf32, #tpu.memory_space<vmem>> -> memref<1x26x64xf32, #tpu.memory_space<vmem>>
        %dma_wait3A_256 = tpu.memref_squeeze %dma_wait3A_255 : memref<1x26x64xf32, #tpu.memory_space<vmem>> -> memref<26x64xf32, #tpu.memory_space<vmem>>
        tpu.wait_dma2 semaphore(%run_scoped3A_224 : memref<!tpu.dma_semaphore, #tpu.memory_space<semaphore_mem>>) src(%dma_wait3A_256 : memref<26x64xf32, #tpu.memory_space<vmem>>) dst(%dma_wait3A_252 : memref<26x64xf32, #tpu.memory_space<hbm>>)
        tpu.yield
      }) : () -> ()
      %mul3A_219 = arith.constant 16 : i32
      %mul3A_220 = arith.muli %scan3A_115, %mul3A_219 : i32
      %add3A_221 = arith.addi %mul3A_2, %mul3A_220 : i32
      %add3A_222 = arith.constant 15 : i32
      %add3A_223 = arith.addi %add3A_221, %add3A_222 : i32
      "tpu.region"() ({
        %run_scoped3A_224 = tpu.sem_alloc : memref<!tpu.dma_semaphore, #tpu.memory_space<semaphore_mem>>
        %dma_start3A_225 = arith.constant 390 : i32
        %dma_start3A_226 = arith.constant 0 : i32
        %dma_start3A_227 = tpu.memref_slice %arg6[%and3A_116, %dma_start3A_225, %dma_start3A_226] : memref<2x416x64xf32, #tpu.memory_space<vmem>> -> memref<1x26x64xf32, #tpu.memory_space<vmem>>
        %dma_start3A_228 = tpu.memref_squeeze %dma_start3A_227 : memref<1x26x64xf32, #tpu.memory_space<vmem>> -> memref<26x64xf32, #tpu.memory_space<vmem>>
        %dma_start3A_229 = arith.constant 0 : i32
        %dma_start3A_230 = arith.constant 0 : i32
        %dma_start3A_231 = tpu.memref_slice %arg4[%add3A_223, %dma_start3A_229, %dma_start3A_230] : memref<16384x32x128xf32, #tpu.memory_space<hbm>> -> memref<1x26x64xf32, #tpu.memory_space<hbm>>
        %dma_start3A_232 = tpu.memref_squeeze %dma_start3A_231 : memref<1x26x64xf32, #tpu.memory_space<hbm>> -> memref<26x64xf32, #tpu.memory_space<hbm>>
        %dma_start3A_233 = arith.constant 0 : i32
        %dma_start3A_234 = arith.constant 0 : i32
        %dma_start3A_235 = tpu.memref_slice %arg4[%add3A_223, %dma_start3A_233, %dma_start3A_234] : memref<16384x32x128xf32, #tpu.memory_space<hbm>> -> memref<1x26x64xf32, #tpu.memory_space<hbm>>
        %dma_start3A_236 = tpu.memref_squeeze %dma_start3A_235 : memref<1x26x64xf32, #tpu.memory_space<hbm>> -> memref<26x64xf32, #tpu.memory_space<hbm>>
        %dma_start3A_237 = arith.constant 390 : i32
        %dma_start3A_238 = arith.constant 0 : i32
        %dma_start3A_239 = tpu.memref_slice %arg6[%and3A_116, %dma_start3A_237, %dma_start3A_238] : memref<2x416x64xf32, #tpu.memory_space<vmem>> -> memref<1x26x64xf32, #tpu.memory_space<vmem>>
        %dma_start3A_240 = tpu.memref_squeeze %dma_start3A_239 : memref<1x26x64xf32, #tpu.memory_space<vmem>> -> memref<26x64xf32, #tpu.memory_space<vmem>>
        tpu.enqueue_dma source(%dma_start3A_240 : memref<26x64xf32, #tpu.memory_space<vmem>>) target(%dma_start3A_236 : memref<26x64xf32, #tpu.memory_space<hbm>>) target_semaphore(%run_scoped3A_224 : memref<!tpu.dma_semaphore, #tpu.memory_space<semaphore_mem>>)
        %dma_wait3A_241 = arith.constant 390 : i32
        %dma_wait3A_242 = arith.constant 0 : i32
        %dma_wait3A_243 = tpu.memref_slice %arg6[%and3A_116, %dma_wait3A_241, %dma_wait3A_242] : memref<2x416x64xf32, #tpu.memory_space<vmem>> -> memref<1x26x64xf32, #tpu.memory_space<vmem>>
        %dma_wait3A_244 = tpu.memref_squeeze %dma_wait3A_243 : memref<1x26x64xf32, #tpu.memory_space<vmem>> -> memref<26x64xf32, #tpu.memory_space<vmem>>
        %dma_wait3A_245 = arith.constant 0 : i32
        %dma_wait3A_246 = arith.constant 0 : i32
        %dma_wait3A_247 = tpu.memref_slice %arg4[%add3A_223, %dma_wait3A_245, %dma_wait3A_246] : memref<16384x32x128xf32, #tpu.memory_space<hbm>> -> memref<1x26x64xf32, #tpu.memory_space<hbm>>
        %dma_wait3A_248 = tpu.memref_squeeze %dma_wait3A_247 : memref<1x26x64xf32, #tpu.memory_space<hbm>> -> memref<26x64xf32, #tpu.memory_space<hbm>>
        %dma_wait3A_249 = arith.constant 0 : i32
        %dma_wait3A_250 = arith.constant 0 : i32
        %dma_wait3A_251 = tpu.memref_slice %arg4[%add3A_223, %dma_wait3A_249, %dma_wait3A_250] : memref<16384x32x128xf32, #tpu.memory_space<hbm>> -> memref<1x26x64xf32, #tpu.memory_space<hbm>>
        %dma_wait3A_252 = tpu.memref_squeeze %dma_wait3A_251 : memref<1x26x64xf32, #tpu.memory_space<hbm>> -> memref<26x64xf32, #tpu.memory_space<hbm>>
        %dma_wait3A_253 = arith.constant 390 : i32
        %dma_wait3A_254 = arith.constant 0 : i32
        %dma_wait3A_255 = tpu.memref_slice %arg6[%and3A_116, %dma_wait3A_253, %dma_wait3A_254] : memref<2x416x64xf32, #tpu.memory_space<vmem>> -> memref<1x26x64xf32, #tpu.memory_space<vmem>>
        %dma_wait3A_256 = tpu.memref_squeeze %dma_wait3A_255 : memref<1x26x64xf32, #tpu.memory_space<vmem>> -> memref<26x64xf32, #tpu.memory_space<vmem>>
        tpu.wait_dma2 semaphore(%run_scoped3A_224 : memref<!tpu.dma_semaphore, #tpu.memory_space<semaphore_mem>>) src(%dma_wait3A_256 : memref<26x64xf32, #tpu.memory_space<vmem>>) dst(%dma_wait3A_252 : memref<26x64xf32, #tpu.memory_space<hbm>>)
        tpu.yield
      }) : () -> ()
    }
    %scan3A_21 = arith.constant 31 : i32
    %dma_wait3A = arith.constant 31 : i32
    %dma_wait3A_22 = arith.constant 1 : i32
    %dma_wait3A_23 = arith.constant 1 : i32
    %dma_wait3A_24 = arith.constant 0 : i32
    %dma_wait3A_25 = arith.constant 0 : i32
    %dma_wait3A_26 = tpu.memref_slice %arg6[%dma_wait3A_22, %dma_wait3A_24, %dma_wait3A_25] : memref<2x416x64xf32, #tpu.memory_space<vmem>> -> memref<1x416x64xf32, #tpu.memory_space<vmem>>
    %dma_wait3A_27 = tpu.memref_squeeze %dma_wait3A_26 : memref<1x416x64xf32, #tpu.memory_space<vmem>> -> memref<416x64xf32, #tpu.memory_space<vmem>>
    %dma_wait3A_28 = arith.constant 0 : i32
    %dma_wait3A_29 = tpu.memref_slice %arg5[%dma_wait3A, %dma_wait3A_28] : memref<32x416xi32, #tpu.memory_space<vmem>> -> memref<1x416xi32, #tpu.memory_space<vmem>>
    %dma_wait3A_30 = tpu.memref_squeeze %dma_wait3A_29 : memref<1x416xi32, #tpu.memory_space<vmem>> -> memref<416xi32, #tpu.memory_space<vmem>>
    %dma_wait3A_31 = arith.constant 0 : i32
    %dma_wait3A_32 = arith.constant 0 : i32
    %dma_wait3A_33 = tpu.memref_slice %arg3[%dma_wait3A_31, %dma_wait3A_32] : memref<1000000x64xf32, #tpu.memory_space<hbm>> -> memref<1000000x64xf32, #tpu.memory_space<hbm>>
    %dma_wait3A_34 = tpu.memref_slice %arg7[%dma_wait3A_23] : memref<2x!tpu.dma_semaphore, #tpu.memory_space<semaphore_mem>> -> memref<1x!tpu.dma_semaphore, #tpu.memory_space<semaphore_mem>>
    %dma_wait3A_35 = tpu.memref_squeeze %dma_wait3A_34 : memref<1x!tpu.dma_semaphore, #tpu.memory_space<semaphore_mem>> -> memref<!tpu.dma_semaphore, #tpu.memory_space<semaphore_mem>>
    tpu.wait_indirect_dma semaphore(%dma_wait3A_35 : memref<!tpu.dma_semaphore, #tpu.memory_space<semaphore_mem>>) src(%dma_wait3A_33 : memref<1000000x64xf32, #tpu.memory_space<hbm>>) dst(%dma_wait3A_27 : memref<416x64xf32, #tpu.memory_space<vmem>>)
    %add3A_36 = arith.constant 496 : i32
    %add3A_37 = arith.addi %mul3A_2, %add3A_36 : i32
    %add3A_38 = arith.constant 0 : i32
    %add3A_39 = arith.addi %add3A_37, %add3A_38 : i32
    %run_scoped3A = arith.constant 1 : i32
    "tpu.region"() ({
      %run_scoped3A_115 = tpu.sem_alloc : memref<!tpu.dma_semaphore, #tpu.memory_space<semaphore_mem>>
      %dma_start3A_116 = arith.constant 0 : i32
      %dma_start3A_117 = arith.constant 0 : i32
      %dma_start3A_118 = tpu.memref_slice %arg6[%run_scoped3A, %dma_start3A_116, %dma_start3A_117] : memref<2x416x64xf32, #tpu.memory_space<vmem>> -> memref<1x26x64xf32, #tpu.memory_space<vmem>>
      %dma_start3A_119 = tpu.memref_squeeze %dma_start3A_118 : memref<1x26x64xf32, #tpu.memory_space<vmem>> -> memref<26x64xf32, #tpu.memory_space<vmem>>
      %dma_start3A_120 = arith.constant 0 : i32
      %dma_start3A_121 = arith.constant 0 : i32
      %dma_start3A_122 = tpu.memref_slice %arg4[%add3A_39, %dma_start3A_120, %dma_start3A_121] : memref<16384x32x128xf32, #tpu.memory_space<hbm>> -> memref<1x26x64xf32, #tpu.memory_space<hbm>>
      %dma_start3A_123 = tpu.memref_squeeze %dma_start3A_122 : memref<1x26x64xf32, #tpu.memory_space<hbm>> -> memref<26x64xf32, #tpu.memory_space<hbm>>
      %dma_start3A_124 = arith.constant 0 : i32
      %dma_start3A_125 = arith.constant 0 : i32
      %dma_start3A_126 = tpu.memref_slice %arg4[%add3A_39, %dma_start3A_124, %dma_start3A_125] : memref<16384x32x128xf32, #tpu.memory_space<hbm>> -> memref<1x26x64xf32, #tpu.memory_space<hbm>>
      %dma_start3A_127 = tpu.memref_squeeze %dma_start3A_126 : memref<1x26x64xf32, #tpu.memory_space<hbm>> -> memref<26x64xf32, #tpu.memory_space<hbm>>
      %dma_start3A_128 = arith.constant 0 : i32
      %dma_start3A_129 = arith.constant 0 : i32
      %dma_start3A_130 = tpu.memref_slice %arg6[%run_scoped3A, %dma_start3A_128, %dma_start3A_129] : memref<2x416x64xf32, #tpu.memory_space<vmem>> -> memref<1x26x64xf32, #tpu.memory_space<vmem>>
      %dma_start3A_131 = tpu.memref_squeeze %dma_start3A_130 : memref<1x26x64xf32, #tpu.memory_space<vmem>> -> memref<26x64xf32, #tpu.memory_space<vmem>>
      tpu.enqueue_dma source(%dma_start3A_131 : memref<26x64xf32, #tpu.memory_space<vmem>>) target(%dma_start3A_127 : memref<26x64xf32, #tpu.memory_space<hbm>>) target_semaphore(%run_scoped3A_115 : memref<!tpu.dma_semaphore, #tpu.memory_space<semaphore_mem>>)
      %dma_wait3A_132 = arith.constant 0 : i32
      %dma_wait3A_133 = arith.constant 0 : i32
      %dma_wait3A_134 = tpu.memref_slice %arg6[%run_scoped3A, %dma_wait3A_132, %dma_wait3A_133] : memref<2x416x64xf32, #tpu.memory_space<vmem>> -> memref<1x26x64xf32, #tpu.memory_space<vmem>>
      %dma_wait3A_135 = tpu.memref_squeeze %dma_wait3A_134 : memref<1x26x64xf32, #tpu.memory_space<vmem>> -> memref<26x64xf32, #tpu.memory_space<vmem>>
      %dma_wait3A_136 = arith.constant 0 : i32
      %dma_wait3A_137 = arith.constant 0 : i32
      %dma_wait3A_138 = tpu.memref_slice %arg4[%add3A_39, %dma_wait3A_136, %dma_wait3A_137] : memref<16384x32x128xf32, #tpu.memory_space<hbm>> -> memref<1x26x64xf32, #tpu.memory_space<hbm>>
      %dma_wait3A_139 = tpu.memref_squeeze %dma_wait3A_138 : memref<1x26x64xf32, #tpu.memory_space<hbm>> -> memref<26x64xf32, #tpu.memory_space<hbm>>
      %dma_wait3A_140 = arith.constant 0 : i32
      %dma_wait3A_141 = arith.constant 0 : i32
      %dma_wait3A_142 = tpu.memref_slice %arg4[%add3A_39, %dma_wait3A_140, %dma_wait3A_141] : memref<16384x32x128xf32, #tpu.memory_space<hbm>> -> memref<1x26x64xf32, #tpu.memory_space<hbm>>
      %dma_wait3A_143 = tpu.memref_squeeze %dma_wait3A_142 : memref<1x26x64xf32, #tpu.memory_space<hbm>> -> memref<26x64xf32, #tpu.memory_space<hbm>>
      %dma_wait3A_144 = arith.constant 0 : i32
      %dma_wait3A_145 = arith.constant 0 : i32
      %dma_wait3A_146 = tpu.memref_slice %arg6[%run_scoped3A, %dma_wait3A_144, %dma_wait3A_145] : memref<2x416x64xf32, #tpu.memory_space<vmem>> -> memref<1x26x64xf32, #tpu.memory_space<vmem>>
      %dma_wait3A_147 = tpu.memref_squeeze %dma_wait3A_146 : memref<1x26x64xf32, #tpu.memory_space<vmem>> -> memref<26x64xf32, #tpu.memory_space<vmem>>
      tpu.wait_dma2 semaphore(%run_scoped3A_115 : memref<!tpu.dma_semaphore, #tpu.memory_space<semaphore_mem>>) src(%dma_wait3A_147 : memref<26x64xf32, #tpu.memory_space<vmem>>) dst(%dma_wait3A_143 : memref<26x64xf32, #tpu.memory_space<hbm>>)
      tpu.yield
    }) : () -> ()
    %add3A_40 = arith.constant 496 : i32
    %add3A_41 = arith.addi %mul3A_2, %add3A_40 : i32
    %add3A_42 = arith.constant 1 : i32
    %add3A_43 = arith.addi %add3A_41, %add3A_42 : i32
    %run_scoped3A_44 = arith.constant 1 : i32
    "tpu.region"() ({
      %run_scoped3A_115 = tpu.sem_alloc : memref<!tpu.dma_semaphore, #tpu.memory_space<semaphore_mem>>
      %dma_start3A_116 = arith.constant 26 : i32
      %dma_start3A_117 = arith.constant 0 : i32
      %dma_start3A_118 = tpu.memref_slice %arg6[%run_scoped3A_44, %dma_start3A_116, %dma_start3A_117] : memref<2x416x64xf32, #tpu.memory_space<vmem>> -> memref<1x26x64xf32, #tpu.memory_space<vmem>>
      %dma_start3A_119 = tpu.memref_squeeze %dma_start3A_118 : memref<1x26x64xf32, #tpu.memory_space<vmem>> -> memref<26x64xf32, #tpu.memory_space<vmem>>
      %dma_start3A_120 = arith.constant 0 : i32
      %dma_start3A_121 = arith.constant 0 : i32
      %dma_start3A_122 = tpu.memref_slice %arg4[%add3A_43, %dma_start3A_120, %dma_start3A_121] : memref<16384x32x128xf32, #tpu.memory_space<hbm>> -> memref<1x26x64xf32, #tpu.memory_space<hbm>>
      %dma_start3A_123 = tpu.memref_squeeze %dma_start3A_122 : memref<1x26x64xf32, #tpu.memory_space<hbm>> -> memref<26x64xf32, #tpu.memory_space<hbm>>
      %dma_start3A_124 = arith.constant 0 : i32
      %dma_start3A_125 = arith.constant 0 : i32
      %dma_start3A_126 = tpu.memref_slice %arg4[%add3A_43, %dma_start3A_124, %dma_start3A_125] : memref<16384x32x128xf32, #tpu.memory_space<hbm>> -> memref<1x26x64xf32, #tpu.memory_space<hbm>>
      %dma_start3A_127 = tpu.memref_squeeze %dma_start3A_126 : memref<1x26x64xf32, #tpu.memory_space<hbm>> -> memref<26x64xf32, #tpu.memory_space<hbm>>
      %dma_start3A_128 = arith.constant 26 : i32
      %dma_start3A_129 = arith.constant 0 : i32
      %dma_start3A_130 = tpu.memref_slice %arg6[%run_scoped3A_44, %dma_start3A_128, %dma_start3A_129] : memref<2x416x64xf32, #tpu.memory_space<vmem>> -> memref<1x26x64xf32, #tpu.memory_space<vmem>>
      %dma_start3A_131 = tpu.memref_squeeze %dma_start3A_130 : memref<1x26x64xf32, #tpu.memory_space<vmem>> -> memref<26x64xf32, #tpu.memory_space<vmem>>
      tpu.enqueue_dma source(%dma_start3A_131 : memref<26x64xf32, #tpu.memory_space<vmem>>) target(%dma_start3A_127 : memref<26x64xf32, #tpu.memory_space<hbm>>) target_semaphore(%run_scoped3A_115 : memref<!tpu.dma_semaphore, #tpu.memory_space<semaphore_mem>>)
      %dma_wait3A_132 = arith.constant 26 : i32
      %dma_wait3A_133 = arith.constant 0 : i32
      %dma_wait3A_134 = tpu.memref_slice %arg6[%run_scoped3A_44, %dma_wait3A_132, %dma_wait3A_133] : memref<2x416x64xf32, #tpu.memory_space<vmem>> -> memref<1x26x64xf32, #tpu.memory_space<vmem>>
      %dma_wait3A_135 = tpu.memref_squeeze %dma_wait3A_134 : memref<1x26x64xf32, #tpu.memory_space<vmem>> -> memref<26x64xf32, #tpu.memory_space<vmem>>
      %dma_wait3A_136 = arith.constant 0 : i32
      %dma_wait3A_137 = arith.constant 0 : i32
      %dma_wait3A_138 = tpu.memref_slice %arg4[%add3A_43, %dma_wait3A_136, %dma_wait3A_137] : memref<16384x32x128xf32, #tpu.memory_space<hbm>> -> memref<1x26x64xf32, #tpu.memory_space<hbm>>
      %dma_wait3A_139 = tpu.memref_squeeze %dma_wait3A_138 : memref<1x26x64xf32, #tpu.memory_space<hbm>> -> memref<26x64xf32, #tpu.memory_space<hbm>>
      %dma_wait3A_140 = arith.constant 0 : i32
      %dma_wait3A_141 = arith.constant 0 : i32
      %dma_wait3A_142 = tpu.memref_slice %arg4[%add3A_43, %dma_wait3A_140, %dma_wait3A_141] : memref<16384x32x128xf32, #tpu.memory_space<hbm>> -> memref<1x26x64xf32, #tpu.memory_space<hbm>>
      %dma_wait3A_143 = tpu.memref_squeeze %dma_wait3A_142 : memref<1x26x64xf32, #tpu.memory_space<hbm>> -> memref<26x64xf32, #tpu.memory_space<hbm>>
      %dma_wait3A_144 = arith.constant 26 : i32
      %dma_wait3A_145 = arith.constant 0 : i32
      %dma_wait3A_146 = tpu.memref_slice %arg6[%run_scoped3A_44, %dma_wait3A_144, %dma_wait3A_145] : memref<2x416x64xf32, #tpu.memory_space<vmem>> -> memref<1x26x64xf32, #tpu.memory_space<vmem>>
      %dma_wait3A_147 = tpu.memref_squeeze %dma_wait3A_146 : memref<1x26x64xf32, #tpu.memory_space<vmem>> -> memref<26x64xf32, #tpu.memory_space<vmem>>
      tpu.wait_dma2 semaphore(%run_scoped3A_115 : memref<!tpu.dma_semaphore, #tpu.memory_space<semaphore_mem>>) src(%dma_wait3A_147 : memref<26x64xf32, #tpu.memory_space<vmem>>) dst(%dma_wait3A_143 : memref<26x64xf32, #tpu.memory_space<hbm>>)
      tpu.yield
    }) : () -> ()
    %add3A_45 = arith.constant 496 : i32
    %add3A_46 = arith.addi %mul3A_2, %add3A_45 : i32
    %add3A_47 = arith.constant 2 : i32
    %add3A_48 = arith.addi %add3A_46, %add3A_47 : i32
    %run_scoped3A_49 = arith.constant 1 : i32
    "tpu.region"() ({
      %run_scoped3A_115 = tpu.sem_alloc : memref<!tpu.dma_semaphore, #tpu.memory_space<semaphore_mem>>
      %dma_start3A_116 = arith.constant 52 : i32
      %dma_start3A_117 = arith.constant 0 : i32
      %dma_start3A_118 = tpu.memref_slice %arg6[%run_scoped3A_49, %dma_start3A_116, %dma_start3A_117] : memref<2x416x64xf32, #tpu.memory_space<vmem>> -> memref<1x26x64xf32, #tpu.memory_space<vmem>>
      %dma_start3A_119 = tpu.memref_squeeze %dma_start3A_118 : memref<1x26x64xf32, #tpu.memory_space<vmem>> -> memref<26x64xf32, #tpu.memory_space<vmem>>
      %dma_start3A_120 = arith.constant 0 : i32
      %dma_start3A_121 = arith.constant 0 : i32
      %dma_start3A_122 = tpu.memref_slice %arg4[%add3A_48, %dma_start3A_120, %dma_start3A_121] : memref<16384x32x128xf32, #tpu.memory_space<hbm>> -> memref<1x26x64xf32, #tpu.memory_space<hbm>>
      %dma_start3A_123 = tpu.memref_squeeze %dma_start3A_122 : memref<1x26x64xf32, #tpu.memory_space<hbm>> -> memref<26x64xf32, #tpu.memory_space<hbm>>
      %dma_start3A_124 = arith.constant 0 : i32
      %dma_start3A_125 = arith.constant 0 : i32
      %dma_start3A_126 = tpu.memref_slice %arg4[%add3A_48, %dma_start3A_124, %dma_start3A_125] : memref<16384x32x128xf32, #tpu.memory_space<hbm>> -> memref<1x26x64xf32, #tpu.memory_space<hbm>>
      %dma_start3A_127 = tpu.memref_squeeze %dma_start3A_126 : memref<1x26x64xf32, #tpu.memory_space<hbm>> -> memref<26x64xf32, #tpu.memory_space<hbm>>
      %dma_start3A_128 = arith.constant 52 : i32
      %dma_start3A_129 = arith.constant 0 : i32
      %dma_start3A_130 = tpu.memref_slice %arg6[%run_scoped3A_49, %dma_start3A_128, %dma_start3A_129] : memref<2x416x64xf32, #tpu.memory_space<vmem>> -> memref<1x26x64xf32, #tpu.memory_space<vmem>>
      %dma_start3A_131 = tpu.memref_squeeze %dma_start3A_130 : memref<1x26x64xf32, #tpu.memory_space<vmem>> -> memref<26x64xf32, #tpu.memory_space<vmem>>
      tpu.enqueue_dma source(%dma_start3A_131 : memref<26x64xf32, #tpu.memory_space<vmem>>) target(%dma_start3A_127 : memref<26x64xf32, #tpu.memory_space<hbm>>) target_semaphore(%run_scoped3A_115 : memref<!tpu.dma_semaphore, #tpu.memory_space<semaphore_mem>>)
      %dma_wait3A_132 = arith.constant 52 : i32
      %dma_wait3A_133 = arith.constant 0 : i32
      %dma_wait3A_134 = tpu.memref_slice %arg6[%run_scoped3A_49, %dma_wait3A_132, %dma_wait3A_133] : memref<2x416x64xf32, #tpu.memory_space<vmem>> -> memref<1x26x64xf32, #tpu.memory_space<vmem>>
      %dma_wait3A_135 = tpu.memref_squeeze %dma_wait3A_134 : memref<1x26x64xf32, #tpu.memory_space<vmem>> -> memref<26x64xf32, #tpu.memory_space<vmem>>
      %dma_wait3A_136 = arith.constant 0 : i32
      %dma_wait3A_137 = arith.constant 0 : i32
      %dma_wait3A_138 = tpu.memref_slice %arg4[%add3A_48, %dma_wait3A_136, %dma_wait3A_137] : memref<16384x32x128xf32, #tpu.memory_space<hbm>> -> memref<1x26x64xf32, #tpu.memory_space<hbm>>
      %dma_wait3A_139 = tpu.memref_squeeze %dma_wait3A_138 : memref<1x26x64xf32, #tpu.memory_space<hbm>> -> memref<26x64xf32, #tpu.memory_space<hbm>>
      %dma_wait3A_140 = arith.constant 0 : i32
      %dma_wait3A_141 = arith.constant 0 : i32
      %dma_wait3A_142 = tpu.memref_slice %arg4[%add3A_48, %dma_wait3A_140, %dma_wait3A_141] : memref<16384x32x128xf32, #tpu.memory_space<hbm>> -> memref<1x26x64xf32, #tpu.memory_space<hbm>>
      %dma_wait3A_143 = tpu.memref_squeeze %dma_wait3A_142 : memref<1x26x64xf32, #tpu.memory_space<hbm>> -> memref<26x64xf32, #tpu.memory_space<hbm>>
      %dma_wait3A_144 = arith.constant 52 : i32
      %dma_wait3A_145 = arith.constant 0 : i32
      %dma_wait3A_146 = tpu.memref_slice %arg6[%run_scoped3A_49, %dma_wait3A_144, %dma_wait3A_145] : memref<2x416x64xf32, #tpu.memory_space<vmem>> -> memref<1x26x64xf32, #tpu.memory_space<vmem>>
      %dma_wait3A_147 = tpu.memref_squeeze %dma_wait3A_146 : memref<1x26x64xf32, #tpu.memory_space<vmem>> -> memref<26x64xf32, #tpu.memory_space<vmem>>
      tpu.wait_dma2 semaphore(%run_scoped3A_115 : memref<!tpu.dma_semaphore, #tpu.memory_space<semaphore_mem>>) src(%dma_wait3A_147 : memref<26x64xf32, #tpu.memory_space<vmem>>) dst(%dma_wait3A_143 : memref<26x64xf32, #tpu.memory_space<hbm>>)
      tpu.yield
    }) : () -> ()
    %add3A_50 = arith.constant 496 : i32
    %add3A_51 = arith.addi %mul3A_2, %add3A_50 : i32
    %add3A_52 = arith.constant 3 : i32
    %add3A_53 = arith.addi %add3A_51, %add3A_52 : i32
    %run_scoped3A_54 = arith.constant 1 : i32
    "tpu.region"() ({
      %run_scoped3A_115 = tpu.sem_alloc : memref<!tpu.dma_semaphore, #tpu.memory_space<semaphore_mem>>
      %dma_start3A_116 = arith.constant 78 : i32
      %dma_start3A_117 = arith.constant 0 : i32
      %dma_start3A_118 = tpu.memref_slice %arg6[%run_scoped3A_54, %dma_start3A_116, %dma_start3A_117] : memref<2x416x64xf32, #tpu.memory_space<vmem>> -> memref<1x26x64xf32, #tpu.memory_space<vmem>>
      %dma_start3A_119 = tpu.memref_squeeze %dma_start3A_118 : memref<1x26x64xf32, #tpu.memory_space<vmem>> -> memref<26x64xf32, #tpu.memory_space<vmem>>
      %dma_start3A_120 = arith.constant 0 : i32
      %dma_start3A_121 = arith.constant 0 : i32
      %dma_start3A_122 = tpu.memref_slice %arg4[%add3A_53, %dma_start3A_120, %dma_start3A_121] : memref<16384x32x128xf32, #tpu.memory_space<hbm>> -> memref<1x26x64xf32, #tpu.memory_space<hbm>>
      %dma_start3A_123 = tpu.memref_squeeze %dma_start3A_122 : memref<1x26x64xf32, #tpu.memory_space<hbm>> -> memref<26x64xf32, #tpu.memory_space<hbm>>
      %dma_start3A_124 = arith.constant 0 : i32
      %dma_start3A_125 = arith.constant 0 : i32
      %dma_start3A_126 = tpu.memref_slice %arg4[%add3A_53, %dma_start3A_124, %dma_start3A_125] : memref<16384x32x128xf32, #tpu.memory_space<hbm>> -> memref<1x26x64xf32, #tpu.memory_space<hbm>>
      %dma_start3A_127 = tpu.memref_squeeze %dma_start3A_126 : memref<1x26x64xf32, #tpu.memory_space<hbm>> -> memref<26x64xf32, #tpu.memory_space<hbm>>
      %dma_start3A_128 = arith.constant 78 : i32
      %dma_start3A_129 = arith.constant 0 : i32
      %dma_start3A_130 = tpu.memref_slice %arg6[%run_scoped3A_54, %dma_start3A_128, %dma_start3A_129] : memref<2x416x64xf32, #tpu.memory_space<vmem>> -> memref<1x26x64xf32, #tpu.memory_space<vmem>>
      %dma_start3A_131 = tpu.memref_squeeze %dma_start3A_130 : memref<1x26x64xf32, #tpu.memory_space<vmem>> -> memref<26x64xf32, #tpu.memory_space<vmem>>
      tpu.enqueue_dma source(%dma_start3A_131 : memref<26x64xf32, #tpu.memory_space<vmem>>) target(%dma_start3A_127 : memref<26x64xf32, #tpu.memory_space<hbm>>) target_semaphore(%run_scoped3A_115 : memref<!tpu.dma_semaphore, #tpu.memory_space<semaphore_mem>>)
      %dma_wait3A_132 = arith.constant 78 : i32
      %dma_wait3A_133 = arith.constant 0 : i32
      %dma_wait3A_134 = tpu.memref_slice %arg6[%run_scoped3A_54, %dma_wait3A_132, %dma_wait3A_133] : memref<2x416x64xf32, #tpu.memory_space<vmem>> -> memref<1x26x64xf32, #tpu.memory_space<vmem>>
      %dma_wait3A_135 = tpu.memref_squeeze %dma_wait3A_134 : memref<1x26x64xf32, #tpu.memory_space<vmem>> -> memref<26x64xf32, #tpu.memory_space<vmem>>
      %dma_wait3A_136 = arith.constant 0 : i32
      %dma_wait3A_137 = arith.constant 0 : i32
      %dma_wait3A_138 = tpu.memref_slice %arg4[%add3A_53, %dma_wait3A_136, %dma_wait3A_137] : memref<16384x32x128xf32, #tpu.memory_space<hbm>> -> memref<1x26x64xf32, #tpu.memory_space<hbm>>
      %dma_wait3A_139 = tpu.memref_squeeze %dma_wait3A_138 : memref<1x26x64xf32, #tpu.memory_space<hbm>> -> memref<26x64xf32, #tpu.memory_space<hbm>>
      %dma_wait3A_140 = arith.constant 0 : i32
      %dma_wait3A_141 = arith.constant 0 : i32
      %dma_wait3A_142 = tpu.memref_slice %arg4[%add3A_53, %dma_wait3A_140, %dma_wait3A_141] : memref<16384x32x128xf32, #tpu.memory_space<hbm>> -> memref<1x26x64xf32, #tpu.memory_space<hbm>>
      %dma_wait3A_143 = tpu.memref_squeeze %dma_wait3A_142 : memref<1x26x64xf32, #tpu.memory_space<hbm>> -> memref<26x64xf32, #tpu.memory_space<hbm>>
      %dma_wait3A_144 = arith.constant 78 : i32
      %dma_wait3A_145 = arith.constant 0 : i32
      %dma_wait3A_146 = tpu.memref_slice %arg6[%run_scoped3A_54, %dma_wait3A_144, %dma_wait3A_145] : memref<2x416x64xf32, #tpu.memory_space<vmem>> -> memref<1x26x64xf32, #tpu.memory_space<vmem>>
      %dma_wait3A_147 = tpu.memref_squeeze %dma_wait3A_146 : memref<1x26x64xf32, #tpu.memory_space<vmem>> -> memref<26x64xf32, #tpu.memory_space<vmem>>
      tpu.wait_dma2 semaphore(%run_scoped3A_115 : memref<!tpu.dma_semaphore, #tpu.memory_space<semaphore_mem>>) src(%dma_wait3A_147 : memref<26x64xf32, #tpu.memory_space<vmem>>) dst(%dma_wait3A_143 : memref<26x64xf32, #tpu.memory_space<hbm>>)
      tpu.yield
    }) : () -> ()
    %add3A_55 = arith.constant 496 : i32
    %add3A_56 = arith.addi %mul3A_2, %add3A_55 : i32
    %add3A_57 = arith.constant 4 : i32
    %add3A_58 = arith.addi %add3A_56, %add3A_57 : i32
    %run_scoped3A_59 = arith.constant 1 : i32
    "tpu.region"() ({
      %run_scoped3A_115 = tpu.sem_alloc : memref<!tpu.dma_semaphore, #tpu.memory_space<semaphore_mem>>
      %dma_start3A_116 = arith.constant 104 : i32
      %dma_start3A_117 = arith.constant 0 : i32
      %dma_start3A_118 = tpu.memref_slice %arg6[%run_scoped3A_59, %dma_start3A_116, %dma_start3A_117] : memref<2x416x64xf32, #tpu.memory_space<vmem>> -> memref<1x26x64xf32, #tpu.memory_space<vmem>>
      %dma_start3A_119 = tpu.memref_squeeze %dma_start3A_118 : memref<1x26x64xf32, #tpu.memory_space<vmem>> -> memref<26x64xf32, #tpu.memory_space<vmem>>
      %dma_start3A_120 = arith.constant 0 : i32
      %dma_start3A_121 = arith.constant 0 : i32
      %dma_start3A_122 = tpu.memref_slice %arg4[%add3A_58, %dma_start3A_120, %dma_start3A_121] : memref<16384x32x128xf32, #tpu.memory_space<hbm>> -> memref<1x26x64xf32, #tpu.memory_space<hbm>>
      %dma_start3A_123 = tpu.memref_squeeze %dma_start3A_122 : memref<1x26x64xf32, #tpu.memory_space<hbm>> -> memref<26x64xf32, #tpu.memory_space<hbm>>
      %dma_start3A_124 = arith.constant 0 : i32
      %dma_start3A_125 = arith.constant 0 : i32
      %dma_start3A_126 = tpu.memref_slice %arg4[%add3A_58, %dma_start3A_124, %dma_start3A_125] : memref<16384x32x128xf32, #tpu.memory_space<hbm>> -> memref<1x26x64xf32, #tpu.memory_space<hbm>>
      %dma_start3A_127 = tpu.memref_squeeze %dma_start3A_126 : memref<1x26x64xf32, #tpu.memory_space<hbm>> -> memref<26x64xf32, #tpu.memory_space<hbm>>
      %dma_start3A_128 = arith.constant 104 : i32
      %dma_start3A_129 = arith.constant 0 : i32
      %dma_start3A_130 = tpu.memref_slice %arg6[%run_scoped3A_59, %dma_start3A_128, %dma_start3A_129] : memref<2x416x64xf32, #tpu.memory_space<vmem>> -> memref<1x26x64xf32, #tpu.memory_space<vmem>>
      %dma_start3A_131 = tpu.memref_squeeze %dma_start3A_130 : memref<1x26x64xf32, #tpu.memory_space<vmem>> -> memref<26x64xf32, #tpu.memory_space<vmem>>
      tpu.enqueue_dma source(%dma_start3A_131 : memref<26x64xf32, #tpu.memory_space<vmem>>) target(%dma_start3A_127 : memref<26x64xf32, #tpu.memory_space<hbm>>) target_semaphore(%run_scoped3A_115 : memref<!tpu.dma_semaphore, #tpu.memory_space<semaphore_mem>>)
      %dma_wait3A_132 = arith.constant 104 : i32
      %dma_wait3A_133 = arith.constant 0 : i32
      %dma_wait3A_134 = tpu.memref_slice %arg6[%run_scoped3A_59, %dma_wait3A_132, %dma_wait3A_133] : memref<2x416x64xf32, #tpu.memory_space<vmem>> -> memref<1x26x64xf32, #tpu.memory_space<vmem>>
      %dma_wait3A_135 = tpu.memref_squeeze %dma_wait3A_134 : memref<1x26x64xf32, #tpu.memory_space<vmem>> -> memref<26x64xf32, #tpu.memory_space<vmem>>
      %dma_wait3A_136 = arith.constant 0 : i32
      %dma_wait3A_137 = arith.constant 0 : i32
      %dma_wait3A_138 = tpu.memref_slice %arg4[%add3A_58, %dma_wait3A_136, %dma_wait3A_137] : memref<16384x32x128xf32, #tpu.memory_space<hbm>> -> memref<1x26x64xf32, #tpu.memory_space<hbm>>
      %dma_wait3A_139 = tpu.memref_squeeze %dma_wait3A_138 : memref<1x26x64xf32, #tpu.memory_space<hbm>> -> memref<26x64xf32, #tpu.memory_space<hbm>>
      %dma_wait3A_140 = arith.constant 0 : i32
      %dma_wait3A_141 = arith.constant 0 : i32
      %dma_wait3A_142 = tpu.memref_slice %arg4[%add3A_58, %dma_wait3A_140, %dma_wait3A_141] : memref<16384x32x128xf32, #tpu.memory_space<hbm>> -> memref<1x26x64xf32, #tpu.memory_space<hbm>>
      %dma_wait3A_143 = tpu.memref_squeeze %dma_wait3A_142 : memref<1x26x64xf32, #tpu.memory_space<hbm>> -> memref<26x64xf32, #tpu.memory_space<hbm>>
      %dma_wait3A_144 = arith.constant 104 : i32
      %dma_wait3A_145 = arith.constant 0 : i32
      %dma_wait3A_146 = tpu.memref_slice %arg6[%run_scoped3A_59, %dma_wait3A_144, %dma_wait3A_145] : memref<2x416x64xf32, #tpu.memory_space<vmem>> -> memref<1x26x64xf32, #tpu.memory_space<vmem>>
      %dma_wait3A_147 = tpu.memref_squeeze %dma_wait3A_146 : memref<1x26x64xf32, #tpu.memory_space<vmem>> -> memref<26x64xf32, #tpu.memory_space<vmem>>
      tpu.wait_dma2 semaphore(%run_scoped3A_115 : memref<!tpu.dma_semaphore, #tpu.memory_space<semaphore_mem>>) src(%dma_wait3A_147 : memref<26x64xf32, #tpu.memory_space<vmem>>) dst(%dma_wait3A_143 : memref<26x64xf32, #tpu.memory_space<hbm>>)
      tpu.yield
    }) : () -> ()
    %add3A_60 = arith.constant 496 : i32
    %add3A_61 = arith.addi %mul3A_2, %add3A_60 : i32
    %add3A_62 = arith.constant 5 : i32
    %add3A_63 = arith.addi %add3A_61, %add3A_62 : i32
    %run_scoped3A_64 = arith.constant 1 : i32
    "tpu.region"() ({
      %run_scoped3A_115 = tpu.sem_alloc : memref<!tpu.dma_semaphore, #tpu.memory_space<semaphore_mem>>
      %dma_start3A_116 = arith.constant 130 : i32
      %dma_start3A_117 = arith.constant 0 : i32
      %dma_start3A_118 = tpu.memref_slice %arg6[%run_scoped3A_64, %dma_start3A_116, %dma_start3A_117] : memref<2x416x64xf32, #tpu.memory_space<vmem>> -> memref<1x26x64xf32, #tpu.memory_space<vmem>>
      %dma_start3A_119 = tpu.memref_squeeze %dma_start3A_118 : memref<1x26x64xf32, #tpu.memory_space<vmem>> -> memref<26x64xf32, #tpu.memory_space<vmem>>
      %dma_start3A_120 = arith.constant 0 : i32
      %dma_start3A_121 = arith.constant 0 : i32
      %dma_start3A_122 = tpu.memref_slice %arg4[%add3A_63, %dma_start3A_120, %dma_start3A_121] : memref<16384x32x128xf32, #tpu.memory_space<hbm>> -> memref<1x26x64xf32, #tpu.memory_space<hbm>>
      %dma_start3A_123 = tpu.memref_squeeze %dma_start3A_122 : memref<1x26x64xf32, #tpu.memory_space<hbm>> -> memref<26x64xf32, #tpu.memory_space<hbm>>
      %dma_start3A_124 = arith.constant 0 : i32
      %dma_start3A_125 = arith.constant 0 : i32
      %dma_start3A_126 = tpu.memref_slice %arg4[%add3A_63, %dma_start3A_124, %dma_start3A_125] : memref<16384x32x128xf32, #tpu.memory_space<hbm>> -> memref<1x26x64xf32, #tpu.memory_space<hbm>>
      %dma_start3A_127 = tpu.memref_squeeze %dma_start3A_126 : memref<1x26x64xf32, #tpu.memory_space<hbm>> -> memref<26x64xf32, #tpu.memory_space<hbm>>
      %dma_start3A_128 = arith.constant 130 : i32
      %dma_start3A_129 = arith.constant 0 : i32
      %dma_start3A_130 = tpu.memref_slice %arg6[%run_scoped3A_64, %dma_start3A_128, %dma_start3A_129] : memref<2x416x64xf32, #tpu.memory_space<vmem>> -> memref<1x26x64xf32, #tpu.memory_space<vmem>>
      %dma_start3A_131 = tpu.memref_squeeze %dma_start3A_130 : memref<1x26x64xf32, #tpu.memory_space<vmem>> -> memref<26x64xf32, #tpu.memory_space<vmem>>
      tpu.enqueue_dma source(%dma_start3A_131 : memref<26x64xf32, #tpu.memory_space<vmem>>) target(%dma_start3A_127 : memref<26x64xf32, #tpu.memory_space<hbm>>) target_semaphore(%run_scoped3A_115 : memref<!tpu.dma_semaphore, #tpu.memory_space<semaphore_mem>>)
      %dma_wait3A_132 = arith.constant 130 : i32
      %dma_wait3A_133 = arith.constant 0 : i32
      %dma_wait3A_134 = tpu.memref_slice %arg6[%run_scoped3A_64, %dma_wait3A_132, %dma_wait3A_133] : memref<2x416x64xf32, #tpu.memory_space<vmem>> -> memref<1x26x64xf32, #tpu.memory_space<vmem>>
      %dma_wait3A_135 = tpu.memref_squeeze %dma_wait3A_134 : memref<1x26x64xf32, #tpu.memory_space<vmem>> -> memref<26x64xf32, #tpu.memory_space<vmem>>
      %dma_wait3A_136 = arith.constant 0 : i32
      %dma_wait3A_137 = arith.constant 0 : i32
      %dma_wait3A_138 = tpu.memref_slice %arg4[%add3A_63, %dma_wait3A_136, %dma_wait3A_137] : memref<16384x32x128xf32, #tpu.memory_space<hbm>> -> memref<1x26x64xf32, #tpu.memory_space<hbm>>
      %dma_wait3A_139 = tpu.memref_squeeze %dma_wait3A_138 : memref<1x26x64xf32, #tpu.memory_space<hbm>> -> memref<26x64xf32, #tpu.memory_space<hbm>>
      %dma_wait3A_140 = arith.constant 0 : i32
      %dma_wait3A_141 = arith.constant 0 : i32
      %dma_wait3A_142 = tpu.memref_slice %arg4[%add3A_63, %dma_wait3A_140, %dma_wait3A_141] : memref<16384x32x128xf32, #tpu.memory_space<hbm>> -> memref<1x26x64xf32, #tpu.memory_space<hbm>>
      %dma_wait3A_143 = tpu.memref_squeeze %dma_wait3A_142 : memref<1x26x64xf32, #tpu.memory_space<hbm>> -> memref<26x64xf32, #tpu.memory_space<hbm>>
      %dma_wait3A_144 = arith.constant 130 : i32
      %dma_wait3A_145 = arith.constant 0 : i32
      %dma_wait3A_146 = tpu.memref_slice %arg6[%run_scoped3A_64, %dma_wait3A_144, %dma_wait3A_145] : memref<2x416x64xf32, #tpu.memory_space<vmem>> -> memref<1x26x64xf32, #tpu.memory_space<vmem>>
      %dma_wait3A_147 = tpu.memref_squeeze %dma_wait3A_146 : memref<1x26x64xf32, #tpu.memory_space<vmem>> -> memref<26x64xf32, #tpu.memory_space<vmem>>
      tpu.wait_dma2 semaphore(%run_scoped3A_115 : memref<!tpu.dma_semaphore, #tpu.memory_space<semaphore_mem>>) src(%dma_wait3A_147 : memref<26x64xf32, #tpu.memory_space<vmem>>) dst(%dma_wait3A_143 : memref<26x64xf32, #tpu.memory_space<hbm>>)
      tpu.yield
    }) : () -> ()
    %add3A_65 = arith.constant 496 : i32
    %add3A_66 = arith.addi %mul3A_2, %add3A_65 : i32
    %add3A_67 = arith.constant 6 : i32
    %add3A_68 = arith.addi %add3A_66, %add3A_67 : i32
    %run_scoped3A_69 = arith.constant 1 : i32
    "tpu.region"() ({
      %run_scoped3A_115 = tpu.sem_alloc : memref<!tpu.dma_semaphore, #tpu.memory_space<semaphore_mem>>
      %dma_start3A_116 = arith.constant 156 : i32
      %dma_start3A_117 = arith.constant 0 : i32
      %dma_start3A_118 = tpu.memref_slice %arg6[%run_scoped3A_69, %dma_start3A_116, %dma_start3A_117] : memref<2x416x64xf32, #tpu.memory_space<vmem>> -> memref<1x26x64xf32, #tpu.memory_space<vmem>>
      %dma_start3A_119 = tpu.memref_squeeze %dma_start3A_118 : memref<1x26x64xf32, #tpu.memory_space<vmem>> -> memref<26x64xf32, #tpu.memory_space<vmem>>
      %dma_start3A_120 = arith.constant 0 : i32
      %dma_start3A_121 = arith.constant 0 : i32
      %dma_start3A_122 = tpu.memref_slice %arg4[%add3A_68, %dma_start3A_120, %dma_start3A_121] : memref<16384x32x128xf32, #tpu.memory_space<hbm>> -> memref<1x26x64xf32, #tpu.memory_space<hbm>>
      %dma_start3A_123 = tpu.memref_squeeze %dma_start3A_122 : memref<1x26x64xf32, #tpu.memory_space<hbm>> -> memref<26x64xf32, #tpu.memory_space<hbm>>
      %dma_start3A_124 = arith.constant 0 : i32
      %dma_start3A_125 = arith.constant 0 : i32
      %dma_start3A_126 = tpu.memref_slice %arg4[%add3A_68, %dma_start3A_124, %dma_start3A_125] : memref<16384x32x128xf32, #tpu.memory_space<hbm>> -> memref<1x26x64xf32, #tpu.memory_space<hbm>>
      %dma_start3A_127 = tpu.memref_squeeze %dma_start3A_126 : memref<1x26x64xf32, #tpu.memory_space<hbm>> -> memref<26x64xf32, #tpu.memory_space<hbm>>
      %dma_start3A_128 = arith.constant 156 : i32
      %dma_start3A_129 = arith.constant 0 : i32
      %dma_start3A_130 = tpu.memref_slice %arg6[%run_scoped3A_69, %dma_start3A_128, %dma_start3A_129] : memref<2x416x64xf32, #tpu.memory_space<vmem>> -> memref<1x26x64xf32, #tpu.memory_space<vmem>>
      %dma_start3A_131 = tpu.memref_squeeze %dma_start3A_130 : memref<1x26x64xf32, #tpu.memory_space<vmem>> -> memref<26x64xf32, #tpu.memory_space<vmem>>
      tpu.enqueue_dma source(%dma_start3A_131 : memref<26x64xf32, #tpu.memory_space<vmem>>) target(%dma_start3A_127 : memref<26x64xf32, #tpu.memory_space<hbm>>) target_semaphore(%run_scoped3A_115 : memref<!tpu.dma_semaphore, #tpu.memory_space<semaphore_mem>>)
      %dma_wait3A_132 = arith.constant 156 : i32
      %dma_wait3A_133 = arith.constant 0 : i32
      %dma_wait3A_134 = tpu.memref_slice %arg6[%run_scoped3A_69, %dma_wait3A_132, %dma_wait3A_133] : memref<2x416x64xf32, #tpu.memory_space<vmem>> -> memref<1x26x64xf32, #tpu.memory_space<vmem>>
      %dma_wait3A_135 = tpu.memref_squeeze %dma_wait3A_134 : memref<1x26x64xf32, #tpu.memory_space<vmem>> -> memref<26x64xf32, #tpu.memory_space<vmem>>
      %dma_wait3A_136 = arith.constant 0 : i32
      %dma_wait3A_137 = arith.constant 0 : i32
      %dma_wait3A_138 = tpu.memref_slice %arg4[%add3A_68, %dma_wait3A_136, %dma_wait3A_137] : memref<16384x32x128xf32, #tpu.memory_space<hbm>> -> memref<1x26x64xf32, #tpu.memory_space<hbm>>
      %dma_wait3A_139 = tpu.memref_squeeze %dma_wait3A_138 : memref<1x26x64xf32, #tpu.memory_space<hbm>> -> memref<26x64xf32, #tpu.memory_space<hbm>>
      %dma_wait3A_140 = arith.constant 0 : i32
      %dma_wait3A_141 = arith.constant 0 : i32
      %dma_wait3A_142 = tpu.memref_slice %arg4[%add3A_68, %dma_wait3A_140, %dma_wait3A_141] : memref<16384x32x128xf32, #tpu.memory_space<hbm>> -> memref<1x26x64xf32, #tpu.memory_space<hbm>>
      %dma_wait3A_143 = tpu.memref_squeeze %dma_wait3A_142 : memref<1x26x64xf32, #tpu.memory_space<hbm>> -> memref<26x64xf32, #tpu.memory_space<hbm>>
      %dma_wait3A_144 = arith.constant 156 : i32
      %dma_wait3A_145 = arith.constant 0 : i32
      %dma_wait3A_146 = tpu.memref_slice %arg6[%run_scoped3A_69, %dma_wait3A_144, %dma_wait3A_145] : memref<2x416x64xf32, #tpu.memory_space<vmem>> -> memref<1x26x64xf32, #tpu.memory_space<vmem>>
      %dma_wait3A_147 = tpu.memref_squeeze %dma_wait3A_146 : memref<1x26x64xf32, #tpu.memory_space<vmem>> -> memref<26x64xf32, #tpu.memory_space<vmem>>
      tpu.wait_dma2 semaphore(%run_scoped3A_115 : memref<!tpu.dma_semaphore, #tpu.memory_space<semaphore_mem>>) src(%dma_wait3A_147 : memref<26x64xf32, #tpu.memory_space<vmem>>) dst(%dma_wait3A_143 : memref<26x64xf32, #tpu.memory_space<hbm>>)
      tpu.yield
    }) : () -> ()
    %add3A_70 = arith.constant 496 : i32
    %add3A_71 = arith.addi %mul3A_2, %add3A_70 : i32
    %add3A_72 = arith.constant 7 : i32
    %add3A_73 = arith.addi %add3A_71, %add3A_72 : i32
    %run_scoped3A_74 = arith.constant 1 : i32
    "tpu.region"() ({
      %run_scoped3A_115 = tpu.sem_alloc : memref<!tpu.dma_semaphore, #tpu.memory_space<semaphore_mem>>
      %dma_start3A_116 = arith.constant 182 : i32
      %dma_start3A_117 = arith.constant 0 : i32
      %dma_start3A_118 = tpu.memref_slice %arg6[%run_scoped3A_74, %dma_start3A_116, %dma_start3A_117] : memref<2x416x64xf32, #tpu.memory_space<vmem>> -> memref<1x26x64xf32, #tpu.memory_space<vmem>>
      %dma_start3A_119 = tpu.memref_squeeze %dma_start3A_118 : memref<1x26x64xf32, #tpu.memory_space<vmem>> -> memref<26x64xf32, #tpu.memory_space<vmem>>
      %dma_start3A_120 = arith.constant 0 : i32
      %dma_start3A_121 = arith.constant 0 : i32
      %dma_start3A_122 = tpu.memref_slice %arg4[%add3A_73, %dma_start3A_120, %dma_start3A_121] : memref<16384x32x128xf32, #tpu.memory_space<hbm>> -> memref<1x26x64xf32, #tpu.memory_space<hbm>>
      %dma_start3A_123 = tpu.memref_squeeze %dma_start3A_122 : memref<1x26x64xf32, #tpu.memory_space<hbm>> -> memref<26x64xf32, #tpu.memory_space<hbm>>
      %dma_start3A_124 = arith.constant 0 : i32
      %dma_start3A_125 = arith.constant 0 : i32
      %dma_start3A_126 = tpu.memref_slice %arg4[%add3A_73, %dma_start3A_124, %dma_start3A_125] : memref<16384x32x128xf32, #tpu.memory_space<hbm>> -> memref<1x26x64xf32, #tpu.memory_space<hbm>>
      %dma_start3A_127 = tpu.memref_squeeze %dma_start3A_126 : memref<1x26x64xf32, #tpu.memory_space<hbm>> -> memref<26x64xf32, #tpu.memory_space<hbm>>
      %dma_start3A_128 = arith.constant 182 : i32
      %dma_start3A_129 = arith.constant 0 : i32
      %dma_start3A_130 = tpu.memref_slice %arg6[%run_scoped3A_74, %dma_start3A_128, %dma_start3A_129] : memref<2x416x64xf32, #tpu.memory_space<vmem>> -> memref<1x26x64xf32, #tpu.memory_space<vmem>>
      %dma_start3A_131 = tpu.memref_squeeze %dma_start3A_130 : memref<1x26x64xf32, #tpu.memory_space<vmem>> -> memref<26x64xf32, #tpu.memory_space<vmem>>
      tpu.enqueue_dma source(%dma_start3A_131 : memref<26x64xf32, #tpu.memory_space<vmem>>) target(%dma_start3A_127 : memref<26x64xf32, #tpu.memory_space<hbm>>) target_semaphore(%run_scoped3A_115 : memref<!tpu.dma_semaphore, #tpu.memory_space<semaphore_mem>>)
      %dma_wait3A_132 = arith.constant 182 : i32
      %dma_wait3A_133 = arith.constant 0 : i32
      %dma_wait3A_134 = tpu.memref_slice %arg6[%run_scoped3A_74, %dma_wait3A_132, %dma_wait3A_133] : memref<2x416x64xf32, #tpu.memory_space<vmem>> -> memref<1x26x64xf32, #tpu.memory_space<vmem>>
      %dma_wait3A_135 = tpu.memref_squeeze %dma_wait3A_134 : memref<1x26x64xf32, #tpu.memory_space<vmem>> -> memref<26x64xf32, #tpu.memory_space<vmem>>
      %dma_wait3A_136 = arith.constant 0 : i32
      %dma_wait3A_137 = arith.constant 0 : i32
      %dma_wait3A_138 = tpu.memref_slice %arg4[%add3A_73, %dma_wait3A_136, %dma_wait3A_137] : memref<16384x32x128xf32, #tpu.memory_space<hbm>> -> memref<1x26x64xf32, #tpu.memory_space<hbm>>
      %dma_wait3A_139 = tpu.memref_squeeze %dma_wait3A_138 : memref<1x26x64xf32, #tpu.memory_space<hbm>> -> memref<26x64xf32, #tpu.memory_space<hbm>>
      %dma_wait3A_140 = arith.constant 0 : i32
      %dma_wait3A_141 = arith.constant 0 : i32
      %dma_wait3A_142 = tpu.memref_slice %arg4[%add3A_73, %dma_wait3A_140, %dma_wait3A_141] : memref<16384x32x128xf32, #tpu.memory_space<hbm>> -> memref<1x26x64xf32, #tpu.memory_space<hbm>>
      %dma_wait3A_143 = tpu.memref_squeeze %dma_wait3A_142 : memref<1x26x64xf32, #tpu.memory_space<hbm>> -> memref<26x64xf32, #tpu.memory_space<hbm>>
      %dma_wait3A_144 = arith.constant 182 : i32
      %dma_wait3A_145 = arith.constant 0 : i32
      %dma_wait3A_146 = tpu.memref_slice %arg6[%run_scoped3A_74, %dma_wait3A_144, %dma_wait3A_145] : memref<2x416x64xf32, #tpu.memory_space<vmem>> -> memref<1x26x64xf32, #tpu.memory_space<vmem>>
      %dma_wait3A_147 = tpu.memref_squeeze %dma_wait3A_146 : memref<1x26x64xf32, #tpu.memory_space<vmem>> -> memref<26x64xf32, #tpu.memory_space<vmem>>
      tpu.wait_dma2 semaphore(%run_scoped3A_115 : memref<!tpu.dma_semaphore, #tpu.memory_space<semaphore_mem>>) src(%dma_wait3A_147 : memref<26x64xf32, #tpu.memory_space<vmem>>) dst(%dma_wait3A_143 : memref<26x64xf32, #tpu.memory_space<hbm>>)
      tpu.yield
    }) : () -> ()
    %add3A_75 = arith.constant 496 : i32
    %add3A_76 = arith.addi %mul3A_2, %add3A_75 : i32
    %add3A_77 = arith.constant 8 : i32
    %add3A_78 = arith.addi %add3A_76, %add3A_77 : i32
    %run_scoped3A_79 = arith.constant 1 : i32
    "tpu.region"() ({
      %run_scoped3A_115 = tpu.sem_alloc : memref<!tpu.dma_semaphore, #tpu.memory_space<semaphore_mem>>
      %dma_start3A_116 = arith.constant 208 : i32
      %dma_start3A_117 = arith.constant 0 : i32
      %dma_start3A_118 = tpu.memref_slice %arg6[%run_scoped3A_79, %dma_start3A_116, %dma_start3A_117] : memref<2x416x64xf32, #tpu.memory_space<vmem>> -> memref<1x26x64xf32, #tpu.memory_space<vmem>>
      %dma_start3A_119 = tpu.memref_squeeze %dma_start3A_118 : memref<1x26x64xf32, #tpu.memory_space<vmem>> -> memref<26x64xf32, #tpu.memory_space<vmem>>
      %dma_start3A_120 = arith.constant 0 : i32
      %dma_start3A_121 = arith.constant 0 : i32
      %dma_start3A_122 = tpu.memref_slice %arg4[%add3A_78, %dma_start3A_120, %dma_start3A_121] : memref<16384x32x128xf32, #tpu.memory_space<hbm>> -> memref<1x26x64xf32, #tpu.memory_space<hbm>>
      %dma_start3A_123 = tpu.memref_squeeze %dma_start3A_122 : memref<1x26x64xf32, #tpu.memory_space<hbm>> -> memref<26x64xf32, #tpu.memory_space<hbm>>
      %dma_start3A_124 = arith.constant 0 : i32
      %dma_start3A_125 = arith.constant 0 : i32
      %dma_start3A_126 = tpu.memref_slice %arg4[%add3A_78, %dma_start3A_124, %dma_start3A_125] : memref<16384x32x128xf32, #tpu.memory_space<hbm>> -> memref<1x26x64xf32, #tpu.memory_space<hbm>>
      %dma_start3A_127 = tpu.memref_squeeze %dma_start3A_126 : memref<1x26x64xf32, #tpu.memory_space<hbm>> -> memref<26x64xf32, #tpu.memory_space<hbm>>
      %dma_start3A_128 = arith.constant 208 : i32
      %dma_start3A_129 = arith.constant 0 : i32
      %dma_start3A_130 = tpu.memref_slice %arg6[%run_scoped3A_79, %dma_start3A_128, %dma_start3A_129] : memref<2x416x64xf32, #tpu.memory_space<vmem>> -> memref<1x26x64xf32, #tpu.memory_space<vmem>>
      %dma_start3A_131 = tpu.memref_squeeze %dma_start3A_130 : memref<1x26x64xf32, #tpu.memory_space<vmem>> -> memref<26x64xf32, #tpu.memory_space<vmem>>
      tpu.enqueue_dma source(%dma_start3A_131 : memref<26x64xf32, #tpu.memory_space<vmem>>) target(%dma_start3A_127 : memref<26x64xf32, #tpu.memory_space<hbm>>) target_semaphore(%run_scoped3A_115 : memref<!tpu.dma_semaphore, #tpu.memory_space<semaphore_mem>>)
      %dma_wait3A_132 = arith.constant 208 : i32
      %dma_wait3A_133 = arith.constant 0 : i32
      %dma_wait3A_134 = tpu.memref_slice %arg6[%run_scoped3A_79, %dma_wait3A_132, %dma_wait3A_133] : memref<2x416x64xf32, #tpu.memory_space<vmem>> -> memref<1x26x64xf32, #tpu.memory_space<vmem>>
      %dma_wait3A_135 = tpu.memref_squeeze %dma_wait3A_134 : memref<1x26x64xf32, #tpu.memory_space<vmem>> -> memref<26x64xf32, #tpu.memory_space<vmem>>
      %dma_wait3A_136 = arith.constant 0 : i32
      %dma_wait3A_137 = arith.constant 0 : i32
      %dma_wait3A_138 = tpu.memref_slice %arg4[%add3A_78, %dma_wait3A_136, %dma_wait3A_137] : memref<16384x32x128xf32, #tpu.memory_space<hbm>> -> memref<1x26x64xf32, #tpu.memory_space<hbm>>
      %dma_wait3A_139 = tpu.memref_squeeze %dma_wait3A_138 : memref<1x26x64xf32, #tpu.memory_space<hbm>> -> memref<26x64xf32, #tpu.memory_space<hbm>>
      %dma_wait3A_140 = arith.constant 0 : i32
      %dma_wait3A_141 = arith.constant 0 : i32
      %dma_wait3A_142 = tpu.memref_slice %arg4[%add3A_78, %dma_wait3A_140, %dma_wait3A_141] : memref<16384x32x128xf32, #tpu.memory_space<hbm>> -> memref<1x26x64xf32, #tpu.memory_space<hbm>>
      %dma_wait3A_143 = tpu.memref_squeeze %dma_wait3A_142 : memref<1x26x64xf32, #tpu.memory_space<hbm>> -> memref<26x64xf32, #tpu.memory_space<hbm>>
      %dma_wait3A_144 = arith.constant 208 : i32
      %dma_wait3A_145 = arith.constant 0 : i32
      %dma_wait3A_146 = tpu.memref_slice %arg6[%run_scoped3A_79, %dma_wait3A_144, %dma_wait3A_145] : memref<2x416x64xf32, #tpu.memory_space<vmem>> -> memref<1x26x64xf32, #tpu.memory_space<vmem>>
      %dma_wait3A_147 = tpu.memref_squeeze %dma_wait3A_146 : memref<1x26x64xf32, #tpu.memory_space<vmem>> -> memref<26x64xf32, #tpu.memory_space<vmem>>
      tpu.wait_dma2 semaphore(%run_scoped3A_115 : memref<!tpu.dma_semaphore, #tpu.memory_space<semaphore_mem>>) src(%dma_wait3A_147 : memref<26x64xf32, #tpu.memory_space<vmem>>) dst(%dma_wait3A_143 : memref<26x64xf32, #tpu.memory_space<hbm>>)
      tpu.yield
    }) : () -> ()
    %add3A_80 = arith.constant 496 : i32
    %add3A_81 = arith.addi %mul3A_2, %add3A_80 : i32
    %add3A_82 = arith.constant 9 : i32
    %add3A_83 = arith.addi %add3A_81, %add3A_82 : i32
    %run_scoped3A_84 = arith.constant 1 : i32
    "tpu.region"() ({
      %run_scoped3A_115 = tpu.sem_alloc : memref<!tpu.dma_semaphore, #tpu.memory_space<semaphore_mem>>
      %dma_start3A_116 = arith.constant 234 : i32
      %dma_start3A_117 = arith.constant 0 : i32
      %dma_start3A_118 = tpu.memref_slice %arg6[%run_scoped3A_84, %dma_start3A_116, %dma_start3A_117] : memref<2x416x64xf32, #tpu.memory_space<vmem>> -> memref<1x26x64xf32, #tpu.memory_space<vmem>>
      %dma_start3A_119 = tpu.memref_squeeze %dma_start3A_118 : memref<1x26x64xf32, #tpu.memory_space<vmem>> -> memref<26x64xf32, #tpu.memory_space<vmem>>
      %dma_start3A_120 = arith.constant 0 : i32
      %dma_start3A_121 = arith.constant 0 : i32
      %dma_start3A_122 = tpu.memref_slice %arg4[%add3A_83, %dma_start3A_120, %dma_start3A_121] : memref<16384x32x128xf32, #tpu.memory_space<hbm>> -> memref<1x26x64xf32, #tpu.memory_space<hbm>>
      %dma_start3A_123 = tpu.memref_squeeze %dma_start3A_122 : memref<1x26x64xf32, #tpu.memory_space<hbm>> -> memref<26x64xf32, #tpu.memory_space<hbm>>
      %dma_start3A_124 = arith.constant 0 : i32
      %dma_start3A_125 = arith.constant 0 : i32
      %dma_start3A_126 = tpu.memref_slice %arg4[%add3A_83, %dma_start3A_124, %dma_start3A_125] : memref<16384x32x128xf32, #tpu.memory_space<hbm>> -> memref<1x26x64xf32, #tpu.memory_space<hbm>>
      %dma_start3A_127 = tpu.memref_squeeze %dma_start3A_126 : memref<1x26x64xf32, #tpu.memory_space<hbm>> -> memref<26x64xf32, #tpu.memory_space<hbm>>
      %dma_start3A_128 = arith.constant 234 : i32
      %dma_start3A_129 = arith.constant 0 : i32
      %dma_start3A_130 = tpu.memref_slice %arg6[%run_scoped3A_84, %dma_start3A_128, %dma_start3A_129] : memref<2x416x64xf32, #tpu.memory_space<vmem>> -> memref<1x26x64xf32, #tpu.memory_space<vmem>>
      %dma_start3A_131 = tpu.memref_squeeze %dma_start3A_130 : memref<1x26x64xf32, #tpu.memory_space<vmem>> -> memref<26x64xf32, #tpu.memory_space<vmem>>
      tpu.enqueue_dma source(%dma_start3A_131 : memref<26x64xf32, #tpu.memory_space<vmem>>) target(%dma_start3A_127 : memref<26x64xf32, #tpu.memory_space<hbm>>) target_semaphore(%run_scoped3A_115 : memref<!tpu.dma_semaphore, #tpu.memory_space<semaphore_mem>>)
      %dma_wait3A_132 = arith.constant 234 : i32
      %dma_wait3A_133 = arith.constant 0 : i32
      %dma_wait3A_134 = tpu.memref_slice %arg6[%run_scoped3A_84, %dma_wait3A_132, %dma_wait3A_133] : memref<2x416x64xf32, #tpu.memory_space<vmem>> -> memref<1x26x64xf32, #tpu.memory_space<vmem>>
      %dma_wait3A_135 = tpu.memref_squeeze %dma_wait3A_134 : memref<1x26x64xf32, #tpu.memory_space<vmem>> -> memref<26x64xf32, #tpu.memory_space<vmem>>
      %dma_wait3A_136 = arith.constant 0 : i32
      %dma_wait3A_137 = arith.constant 0 : i32
      %dma_wait3A_138 = tpu.memref_slice %arg4[%add3A_83, %dma_wait3A_136, %dma_wait3A_137] : memref<16384x32x128xf32, #tpu.memory_space<hbm>> -> memref<1x26x64xf32, #tpu.memory_space<hbm>>
      %dma_wait3A_139 = tpu.memref_squeeze %dma_wait3A_138 : memref<1x26x64xf32, #tpu.memory_space<hbm>> -> memref<26x64xf32, #tpu.memory_space<hbm>>
      %dma_wait3A_140 = arith.constant 0 : i32
      %dma_wait3A_141 = arith.constant 0 : i32
      %dma_wait3A_142 = tpu.memref_slice %arg4[%add3A_83, %dma_wait3A_140, %dma_wait3A_141] : memref<16384x32x128xf32, #tpu.memory_space<hbm>> -> memref<1x26x64xf32, #tpu.memory_space<hbm>>
      %dma_wait3A_143 = tpu.memref_squeeze %dma_wait3A_142 : memref<1x26x64xf32, #tpu.memory_space<hbm>> -> memref<26x64xf32, #tpu.memory_space<hbm>>
      %dma_wait3A_144 = arith.constant 234 : i32
      %dma_wait3A_145 = arith.constant 0 : i32
      %dma_wait3A_146 = tpu.memref_slice %arg6[%run_scoped3A_84, %dma_wait3A_144, %dma_wait3A_145] : memref<2x416x64xf32, #tpu.memory_space<vmem>> -> memref<1x26x64xf32, #tpu.memory_space<vmem>>
      %dma_wait3A_147 = tpu.memref_squeeze %dma_wait3A_146 : memref<1x26x64xf32, #tpu.memory_space<vmem>> -> memref<26x64xf32, #tpu.memory_space<vmem>>
      tpu.wait_dma2 semaphore(%run_scoped3A_115 : memref<!tpu.dma_semaphore, #tpu.memory_space<semaphore_mem>>) src(%dma_wait3A_147 : memref<26x64xf32, #tpu.memory_space<vmem>>) dst(%dma_wait3A_143 : memref<26x64xf32, #tpu.memory_space<hbm>>)
      tpu.yield
    }) : () -> ()
    %add3A_85 = arith.constant 496 : i32
    %add3A_86 = arith.addi %mul3A_2, %add3A_85 : i32
    %add3A_87 = arith.constant 10 : i32
    %add3A_88 = arith.addi %add3A_86, %add3A_87 : i32
    %run_scoped3A_89 = arith.constant 1 : i32
    "tpu.region"() ({
      %run_scoped3A_115 = tpu.sem_alloc : memref<!tpu.dma_semaphore, #tpu.memory_space<semaphore_mem>>
      %dma_start3A_116 = arith.constant 260 : i32
      %dma_start3A_117 = arith.constant 0 : i32
      %dma_start3A_118 = tpu.memref_slice %arg6[%run_scoped3A_89, %dma_start3A_116, %dma_start3A_117] : memref<2x416x64xf32, #tpu.memory_space<vmem>> -> memref<1x26x64xf32, #tpu.memory_space<vmem>>
      %dma_start3A_119 = tpu.memref_squeeze %dma_start3A_118 : memref<1x26x64xf32, #tpu.memory_space<vmem>> -> memref<26x64xf32, #tpu.memory_space<vmem>>
      %dma_start3A_120 = arith.constant 0 : i32
      %dma_start3A_121 = arith.constant 0 : i32
      %dma_start3A_122 = tpu.memref_slice %arg4[%add3A_88, %dma_start3A_120, %dma_start3A_121] : memref<16384x32x128xf32, #tpu.memory_space<hbm>> -> memref<1x26x64xf32, #tpu.memory_space<hbm>>
      %dma_start3A_123 = tpu.memref_squeeze %dma_start3A_122 : memref<1x26x64xf32, #tpu.memory_space<hbm>> -> memref<26x64xf32, #tpu.memory_space<hbm>>
      %dma_start3A_124 = arith.constant 0 : i32
      %dma_start3A_125 = arith.constant 0 : i32
      %dma_start3A_126 = tpu.memref_slice %arg4[%add3A_88, %dma_start3A_124, %dma_start3A_125] : memref<16384x32x128xf32, #tpu.memory_space<hbm>> -> memref<1x26x64xf32, #tpu.memory_space<hbm>>
      %dma_start3A_127 = tpu.memref_squeeze %dma_start3A_126 : memref<1x26x64xf32, #tpu.memory_space<hbm>> -> memref<26x64xf32, #tpu.memory_space<hbm>>
      %dma_start3A_128 = arith.constant 260 : i32
      %dma_start3A_129 = arith.constant 0 : i32
      %dma_start3A_130 = tpu.memref_slice %arg6[%run_scoped3A_89, %dma_start3A_128, %dma_start3A_129] : memref<2x416x64xf32, #tpu.memory_space<vmem>> -> memref<1x26x64xf32, #tpu.memory_space<vmem>>
      %dma_start3A_131 = tpu.memref_squeeze %dma_start3A_130 : memref<1x26x64xf32, #tpu.memory_space<vmem>> -> memref<26x64xf32, #tpu.memory_space<vmem>>
      tpu.enqueue_dma source(%dma_start3A_131 : memref<26x64xf32, #tpu.memory_space<vmem>>) target(%dma_start3A_127 : memref<26x64xf32, #tpu.memory_space<hbm>>) target_semaphore(%run_scoped3A_115 : memref<!tpu.dma_semaphore, #tpu.memory_space<semaphore_mem>>)
      %dma_wait3A_132 = arith.constant 260 : i32
      %dma_wait3A_133 = arith.constant 0 : i32
      %dma_wait3A_134 = tpu.memref_slice %arg6[%run_scoped3A_89, %dma_wait3A_132, %dma_wait3A_133] : memref<2x416x64xf32, #tpu.memory_space<vmem>> -> memref<1x26x64xf32, #tpu.memory_space<vmem>>
      %dma_wait3A_135 = tpu.memref_squeeze %dma_wait3A_134 : memref<1x26x64xf32, #tpu.memory_space<vmem>> -> memref<26x64xf32, #tpu.memory_space<vmem>>
      %dma_wait3A_136 = arith.constant 0 : i32
      %dma_wait3A_137 = arith.constant 0 : i32
      %dma_wait3A_138 = tpu.memref_slice %arg4[%add3A_88, %dma_wait3A_136, %dma_wait3A_137] : memref<16384x32x128xf32, #tpu.memory_space<hbm>> -> memref<1x26x64xf32, #tpu.memory_space<hbm>>
      %dma_wait3A_139 = tpu.memref_squeeze %dma_wait3A_138 : memref<1x26x64xf32, #tpu.memory_space<hbm>> -> memref<26x64xf32, #tpu.memory_space<hbm>>
      %dma_wait3A_140 = arith.constant 0 : i32
      %dma_wait3A_141 = arith.constant 0 : i32
      %dma_wait3A_142 = tpu.memref_slice %arg4[%add3A_88, %dma_wait3A_140, %dma_wait3A_141] : memref<16384x32x128xf32, #tpu.memory_space<hbm>> -> memref<1x26x64xf32, #tpu.memory_space<hbm>>
      %dma_wait3A_143 = tpu.memref_squeeze %dma_wait3A_142 : memref<1x26x64xf32, #tpu.memory_space<hbm>> -> memref<26x64xf32, #tpu.memory_space<hbm>>
      %dma_wait3A_144 = arith.constant 260 : i32
      %dma_wait3A_145 = arith.constant 0 : i32
      %dma_wait3A_146 = tpu.memref_slice %arg6[%run_scoped3A_89, %dma_wait3A_144, %dma_wait3A_145] : memref<2x416x64xf32, #tpu.memory_space<vmem>> -> memref<1x26x64xf32, #tpu.memory_space<vmem>>
      %dma_wait3A_147 = tpu.memref_squeeze %dma_wait3A_146 : memref<1x26x64xf32, #tpu.memory_space<vmem>> -> memref<26x64xf32, #tpu.memory_space<vmem>>
      tpu.wait_dma2 semaphore(%run_scoped3A_115 : memref<!tpu.dma_semaphore, #tpu.memory_space<semaphore_mem>>) src(%dma_wait3A_147 : memref<26x64xf32, #tpu.memory_space<vmem>>) dst(%dma_wait3A_143 : memref<26x64xf32, #tpu.memory_space<hbm>>)
      tpu.yield
    }) : () -> ()
    %add3A_90 = arith.constant 496 : i32
    %add3A_91 = arith.addi %mul3A_2, %add3A_90 : i32
    %add3A_92 = arith.constant 11 : i32
    %add3A_93 = arith.addi %add3A_91, %add3A_92 : i32
    %run_scoped3A_94 = arith.constant 1 : i32
    "tpu.region"() ({
      %run_scoped3A_115 = tpu.sem_alloc : memref<!tpu.dma_semaphore, #tpu.memory_space<semaphore_mem>>
      %dma_start3A_116 = arith.constant 286 : i32
      %dma_start3A_117 = arith.constant 0 : i32
      %dma_start3A_118 = tpu.memref_slice %arg6[%run_scoped3A_94, %dma_start3A_116, %dma_start3A_117] : memref<2x416x64xf32, #tpu.memory_space<vmem>> -> memref<1x26x64xf32, #tpu.memory_space<vmem>>
      %dma_start3A_119 = tpu.memref_squeeze %dma_start3A_118 : memref<1x26x64xf32, #tpu.memory_space<vmem>> -> memref<26x64xf32, #tpu.memory_space<vmem>>
      %dma_start3A_120 = arith.constant 0 : i32
      %dma_start3A_121 = arith.constant 0 : i32
      %dma_start3A_122 = tpu.memref_slice %arg4[%add3A_93, %dma_start3A_120, %dma_start3A_121] : memref<16384x32x128xf32, #tpu.memory_space<hbm>> -> memref<1x26x64xf32, #tpu.memory_space<hbm>>
      %dma_start3A_123 = tpu.memref_squeeze %dma_start3A_122 : memref<1x26x64xf32, #tpu.memory_space<hbm>> -> memref<26x64xf32, #tpu.memory_space<hbm>>
      %dma_start3A_124 = arith.constant 0 : i32
      %dma_start3A_125 = arith.constant 0 : i32
      %dma_start3A_126 = tpu.memref_slice %arg4[%add3A_93, %dma_start3A_124, %dma_start3A_125] : memref<16384x32x128xf32, #tpu.memory_space<hbm>> -> memref<1x26x64xf32, #tpu.memory_space<hbm>>
      %dma_start3A_127 = tpu.memref_squeeze %dma_start3A_126 : memref<1x26x64xf32, #tpu.memory_space<hbm>> -> memref<26x64xf32, #tpu.memory_space<hbm>>
      %dma_start3A_128 = arith.constant 286 : i32
      %dma_start3A_129 = arith.constant 0 : i32
      %dma_start3A_130 = tpu.memref_slice %arg6[%run_scoped3A_94, %dma_start3A_128, %dma_start3A_129] : memref<2x416x64xf32, #tpu.memory_space<vmem>> -> memref<1x26x64xf32, #tpu.memory_space<vmem>>
      %dma_start3A_131 = tpu.memref_squeeze %dma_start3A_130 : memref<1x26x64xf32, #tpu.memory_space<vmem>> -> memref<26x64xf32, #tpu.memory_space<vmem>>
      tpu.enqueue_dma source(%dma_start3A_131 : memref<26x64xf32, #tpu.memory_space<vmem>>) target(%dma_start3A_127 : memref<26x64xf32, #tpu.memory_space<hbm>>) target_semaphore(%run_scoped3A_115 : memref<!tpu.dma_semaphore, #tpu.memory_space<semaphore_mem>>)
      %dma_wait3A_132 = arith.constant 286 : i32
      %dma_wait3A_133 = arith.constant 0 : i32
      %dma_wait3A_134 = tpu.memref_slice %arg6[%run_scoped3A_94, %dma_wait3A_132, %dma_wait3A_133] : memref<2x416x64xf32, #tpu.memory_space<vmem>> -> memref<1x26x64xf32, #tpu.memory_space<vmem>>
      %dma_wait3A_135 = tpu.memref_squeeze %dma_wait3A_134 : memref<1x26x64xf32, #tpu.memory_space<vmem>> -> memref<26x64xf32, #tpu.memory_space<vmem>>
      %dma_wait3A_136 = arith.constant 0 : i32
      %dma_wait3A_137 = arith.constant 0 : i32
      %dma_wait3A_138 = tpu.memref_slice %arg4[%add3A_93, %dma_wait3A_136, %dma_wait3A_137] : memref<16384x32x128xf32, #tpu.memory_space<hbm>> -> memref<1x26x64xf32, #tpu.memory_space<hbm>>
      %dma_wait3A_139 = tpu.memref_squeeze %dma_wait3A_138 : memref<1x26x64xf32, #tpu.memory_space<hbm>> -> memref<26x64xf32, #tpu.memory_space<hbm>>
      %dma_wait3A_140 = arith.constant 0 : i32
      %dma_wait3A_141 = arith.constant 0 : i32
      %dma_wait3A_142 = tpu.memref_slice %arg4[%add3A_93, %dma_wait3A_140, %dma_wait3A_141] : memref<16384x32x128xf32, #tpu.memory_space<hbm>> -> memref<1x26x64xf32, #tpu.memory_space<hbm>>
      %dma_wait3A_143 = tpu.memref_squeeze %dma_wait3A_142 : memref<1x26x64xf32, #tpu.memory_space<hbm>> -> memref<26x64xf32, #tpu.memory_space<hbm>>
      %dma_wait3A_144 = arith.constant 286 : i32
      %dma_wait3A_145 = arith.constant 0 : i32
      %dma_wait3A_146 = tpu.memref_slice %arg6[%run_scoped3A_94, %dma_wait3A_144, %dma_wait3A_145] : memref<2x416x64xf32, #tpu.memory_space<vmem>> -> memref<1x26x64xf32, #tpu.memory_space<vmem>>
      %dma_wait3A_147 = tpu.memref_squeeze %dma_wait3A_146 : memref<1x26x64xf32, #tpu.memory_space<vmem>> -> memref<26x64xf32, #tpu.memory_space<vmem>>
      tpu.wait_dma2 semaphore(%run_scoped3A_115 : memref<!tpu.dma_semaphore, #tpu.memory_space<semaphore_mem>>) src(%dma_wait3A_147 : memref<26x64xf32, #tpu.memory_space<vmem>>) dst(%dma_wait3A_143 : memref<26x64xf32, #tpu.memory_space<hbm>>)
      tpu.yield
    }) : () -> ()
    %add3A_95 = arith.constant 496 : i32
    %add3A_96 = arith.addi %mul3A_2, %add3A_95 : i32
    %add3A_97 = arith.constant 12 : i32
    %add3A_98 = arith.addi %add3A_96, %add3A_97 : i32
    %run_scoped3A_99 = arith.constant 1 : i32
    "tpu.region"() ({
      %run_scoped3A_115 = tpu.sem_alloc : memref<!tpu.dma_semaphore, #tpu.memory_space<semaphore_mem>>
      %dma_start3A_116 = arith.constant 312 : i32
      %dma_start3A_117 = arith.constant 0 : i32
      %dma_start3A_118 = tpu.memref_slice %arg6[%run_scoped3A_99, %dma_start3A_116, %dma_start3A_117] : memref<2x416x64xf32, #tpu.memory_space<vmem>> -> memref<1x26x64xf32, #tpu.memory_space<vmem>>
      %dma_start3A_119 = tpu.memref_squeeze %dma_start3A_118 : memref<1x26x64xf32, #tpu.memory_space<vmem>> -> memref<26x64xf32, #tpu.memory_space<vmem>>
      %dma_start3A_120 = arith.constant 0 : i32
      %dma_start3A_121 = arith.constant 0 : i32
      %dma_start3A_122 = tpu.memref_slice %arg4[%add3A_98, %dma_start3A_120, %dma_start3A_121] : memref<16384x32x128xf32, #tpu.memory_space<hbm>> -> memref<1x26x64xf32, #tpu.memory_space<hbm>>
      %dma_start3A_123 = tpu.memref_squeeze %dma_start3A_122 : memref<1x26x64xf32, #tpu.memory_space<hbm>> -> memref<26x64xf32, #tpu.memory_space<hbm>>
      %dma_start3A_124 = arith.constant 0 : i32
      %dma_start3A_125 = arith.constant 0 : i32
      %dma_start3A_126 = tpu.memref_slice %arg4[%add3A_98, %dma_start3A_124, %dma_start3A_125] : memref<16384x32x128xf32, #tpu.memory_space<hbm>> -> memref<1x26x64xf32, #tpu.memory_space<hbm>>
      %dma_start3A_127 = tpu.memref_squeeze %dma_start3A_126 : memref<1x26x64xf32, #tpu.memory_space<hbm>> -> memref<26x64xf32, #tpu.memory_space<hbm>>
      %dma_start3A_128 = arith.constant 312 : i32
      %dma_start3A_129 = arith.constant 0 : i32
      %dma_start3A_130 = tpu.memref_slice %arg6[%run_scoped3A_99, %dma_start3A_128, %dma_start3A_129] : memref<2x416x64xf32, #tpu.memory_space<vmem>> -> memref<1x26x64xf32, #tpu.memory_space<vmem>>
      %dma_start3A_131 = tpu.memref_squeeze %dma_start3A_130 : memref<1x26x64xf32, #tpu.memory_space<vmem>> -> memref<26x64xf32, #tpu.memory_space<vmem>>
      tpu.enqueue_dma source(%dma_start3A_131 : memref<26x64xf32, #tpu.memory_space<vmem>>) target(%dma_start3A_127 : memref<26x64xf32, #tpu.memory_space<hbm>>) target_semaphore(%run_scoped3A_115 : memref<!tpu.dma_semaphore, #tpu.memory_space<semaphore_mem>>)
      %dma_wait3A_132 = arith.constant 312 : i32
      %dma_wait3A_133 = arith.constant 0 : i32
      %dma_wait3A_134 = tpu.memref_slice %arg6[%run_scoped3A_99, %dma_wait3A_132, %dma_wait3A_133] : memref<2x416x64xf32, #tpu.memory_space<vmem>> -> memref<1x26x64xf32, #tpu.memory_space<vmem>>
      %dma_wait3A_135 = tpu.memref_squeeze %dma_wait3A_134 : memref<1x26x64xf32, #tpu.memory_space<vmem>> -> memref<26x64xf32, #tpu.memory_space<vmem>>
      %dma_wait3A_136 = arith.constant 0 : i32
      %dma_wait3A_137 = arith.constant 0 : i32
      %dma_wait3A_138 = tpu.memref_slice %arg4[%add3A_98, %dma_wait3A_136, %dma_wait3A_137] : memref<16384x32x128xf32, #tpu.memory_space<hbm>> -> memref<1x26x64xf32, #tpu.memory_space<hbm>>
      %dma_wait3A_139 = tpu.memref_squeeze %dma_wait3A_138 : memref<1x26x64xf32, #tpu.memory_space<hbm>> -> memref<26x64xf32, #tpu.memory_space<hbm>>
      %dma_wait3A_140 = arith.constant 0 : i32
      %dma_wait3A_141 = arith.constant 0 : i32
      %dma_wait3A_142 = tpu.memref_slice %arg4[%add3A_98, %dma_wait3A_140, %dma_wait3A_141] : memref<16384x32x128xf32, #tpu.memory_space<hbm>> -> memref<1x26x64xf32, #tpu.memory_space<hbm>>
      %dma_wait3A_143 = tpu.memref_squeeze %dma_wait3A_142 : memref<1x26x64xf32, #tpu.memory_space<hbm>> -> memref<26x64xf32, #tpu.memory_space<hbm>>
      %dma_wait3A_144 = arith.constant 312 : i32
      %dma_wait3A_145 = arith.constant 0 : i32
      %dma_wait3A_146 = tpu.memref_slice %arg6[%run_scoped3A_99, %dma_wait3A_144, %dma_wait3A_145] : memref<2x416x64xf32, #tpu.memory_space<vmem>> -> memref<1x26x64xf32, #tpu.memory_space<vmem>>
      %dma_wait3A_147 = tpu.memref_squeeze %dma_wait3A_146 : memref<1x26x64xf32, #tpu.memory_space<vmem>> -> memref<26x64xf32, #tpu.memory_space<vmem>>
      tpu.wait_dma2 semaphore(%run_scoped3A_115 : memref<!tpu.dma_semaphore, #tpu.memory_space<semaphore_mem>>) src(%dma_wait3A_147 : memref<26x64xf32, #tpu.memory_space<vmem>>) dst(%dma_wait3A_143 : memref<26x64xf32, #tpu.memory_space<hbm>>)
      tpu.yield
    }) : () -> ()
    %add3A_100 = arith.constant 496 : i32
    %add3A_101 = arith.addi %mul3A_2, %add3A_100 : i32
    %add3A_102 = arith.constant 13 : i32
    %add3A_103 = arith.addi %add3A_101, %add3A_102 : i32
    %run_scoped3A_104 = arith.constant 1 : i32
    "tpu.region"() ({
      %run_scoped3A_115 = tpu.sem_alloc : memref<!tpu.dma_semaphore, #tpu.memory_space<semaphore_mem>>
      %dma_start3A_116 = arith.constant 338 : i32
      %dma_start3A_117 = arith.constant 0 : i32
      %dma_start3A_118 = tpu.memref_slice %arg6[%run_scoped3A_104, %dma_start3A_116, %dma_start3A_117] : memref<2x416x64xf32, #tpu.memory_space<vmem>> -> memref<1x26x64xf32, #tpu.memory_space<vmem>>
      %dma_start3A_119 = tpu.memref_squeeze %dma_start3A_118 : memref<1x26x64xf32, #tpu.memory_space<vmem>> -> memref<26x64xf32, #tpu.memory_space<vmem>>
      %dma_start3A_120 = arith.constant 0 : i32
      %dma_start3A_121 = arith.constant 0 : i32
      %dma_start3A_122 = tpu.memref_slice %arg4[%add3A_103, %dma_start3A_120, %dma_start3A_121] : memref<16384x32x128xf32, #tpu.memory_space<hbm>> -> memref<1x26x64xf32, #tpu.memory_space<hbm>>
      %dma_start3A_123 = tpu.memref_squeeze %dma_start3A_122 : memref<1x26x64xf32, #tpu.memory_space<hbm>> -> memref<26x64xf32, #tpu.memory_space<hbm>>
      %dma_start3A_124 = arith.constant 0 : i32
      %dma_start3A_125 = arith.constant 0 : i32
      %dma_start3A_126 = tpu.memref_slice %arg4[%add3A_103, %dma_start3A_124, %dma_start3A_125] : memref<16384x32x128xf32, #tpu.memory_space<hbm>> -> memref<1x26x64xf32, #tpu.memory_space<hbm>>
      %dma_start3A_127 = tpu.memref_squeeze %dma_start3A_126 : memref<1x26x64xf32, #tpu.memory_space<hbm>> -> memref<26x64xf32, #tpu.memory_space<hbm>>
      %dma_start3A_128 = arith.constant 338 : i32
      %dma_start3A_129 = arith.constant 0 : i32
      %dma_start3A_130 = tpu.memref_slice %arg6[%run_scoped3A_104, %dma_start3A_128, %dma_start3A_129] : memref<2x416x64xf32, #tpu.memory_space<vmem>> -> memref<1x26x64xf32, #tpu.memory_space<vmem>>
      %dma_start3A_131 = tpu.memref_squeeze %dma_start3A_130 : memref<1x26x64xf32, #tpu.memory_space<vmem>> -> memref<26x64xf32, #tpu.memory_space<vmem>>
      tpu.enqueue_dma source(%dma_start3A_131 : memref<26x64xf32, #tpu.memory_space<vmem>>) target(%dma_start3A_127 : memref<26x64xf32, #tpu.memory_space<hbm>>) target_semaphore(%run_scoped3A_115 : memref<!tpu.dma_semaphore, #tpu.memory_space<semaphore_mem>>)
      %dma_wait3A_132 = arith.constant 338 : i32
      %dma_wait3A_133 = arith.constant 0 : i32
      %dma_wait3A_134 = tpu.memref_slice %arg6[%run_scoped3A_104, %dma_wait3A_132, %dma_wait3A_133] : memref<2x416x64xf32, #tpu.memory_space<vmem>> -> memref<1x26x64xf32, #tpu.memory_space<vmem>>
      %dma_wait3A_135 = tpu.memref_squeeze %dma_wait3A_134 : memref<1x26x64xf32, #tpu.memory_space<vmem>> -> memref<26x64xf32, #tpu.memory_space<vmem>>
      %dma_wait3A_136 = arith.constant 0 : i32
      %dma_wait3A_137 = arith.constant 0 : i32
      %dma_wait3A_138 = tpu.memref_slice %arg4[%add3A_103, %dma_wait3A_136, %dma_wait3A_137] : memref<16384x32x128xf32, #tpu.memory_space<hbm>> -> memref<1x26x64xf32, #tpu.memory_space<hbm>>
      %dma_wait3A_139 = tpu.memref_squeeze %dma_wait3A_138 : memref<1x26x64xf32, #tpu.memory_space<hbm>> -> memref<26x64xf32, #tpu.memory_space<hbm>>
      %dma_wait3A_140 = arith.constant 0 : i32
      %dma_wait3A_141 = arith.constant 0 : i32
      %dma_wait3A_142 = tpu.memref_slice %arg4[%add3A_103, %dma_wait3A_140, %dma_wait3A_141] : memref<16384x32x128xf32, #tpu.memory_space<hbm>> -> memref<1x26x64xf32, #tpu.memory_space<hbm>>
      %dma_wait3A_143 = tpu.memref_squeeze %dma_wait3A_142 : memref<1x26x64xf32, #tpu.memory_space<hbm>> -> memref<26x64xf32, #tpu.memory_space<hbm>>
      %dma_wait3A_144 = arith.constant 338 : i32
      %dma_wait3A_145 = arith.constant 0 : i32
      %dma_wait3A_146 = tpu.memref_slice %arg6[%run_scoped3A_104, %dma_wait3A_144, %dma_wait3A_145] : memref<2x416x64xf32, #tpu.memory_space<vmem>> -> memref<1x26x64xf32, #tpu.memory_space<vmem>>
      %dma_wait3A_147 = tpu.memref_squeeze %dma_wait3A_146 : memref<1x26x64xf32, #tpu.memory_space<vmem>> -> memref<26x64xf32, #tpu.memory_space<vmem>>
      tpu.wait_dma2 semaphore(%run_scoped3A_115 : memref<!tpu.dma_semaphore, #tpu.memory_space<semaphore_mem>>) src(%dma_wait3A_147 : memref<26x64xf32, #tpu.memory_space<vmem>>) dst(%dma_wait3A_143 : memref<26x64xf32, #tpu.memory_space<hbm>>)
      tpu.yield
    }) : () -> ()
    %add3A_105 = arith.constant 496 : i32
    %add3A_106 = arith.addi %mul3A_2, %add3A_105 : i32
    %add3A_107 = arith.constant 14 : i32
    %add3A_108 = arith.addi %add3A_106, %add3A_107 : i32
    %run_scoped3A_109 = arith.constant 1 : i32
    "tpu.region"() ({
      %run_scoped3A_115 = tpu.sem_alloc : memref<!tpu.dma_semaphore, #tpu.memory_space<semaphore_mem>>
      %dma_start3A_116 = arith.constant 364 : i32
      %dma_start3A_117 = arith.constant 0 : i32
      %dma_start3A_118 = tpu.memref_slice %arg6[%run_scoped3A_109, %dma_start3A_116, %dma_start3A_117] : memref<2x416x64xf32, #tpu.memory_space<vmem>> -> memref<1x26x64xf32, #tpu.memory_space<vmem>>
      %dma_start3A_119 = tpu.memref_squeeze %dma_start3A_118 : memref<1x26x64xf32, #tpu.memory_space<vmem>> -> memref<26x64xf32, #tpu.memory_space<vmem>>
      %dma_start3A_120 = arith.constant 0 : i32
      %dma_start3A_121 = arith.constant 0 : i32
      %dma_start3A_122 = tpu.memref_slice %arg4[%add3A_108, %dma_start3A_120, %dma_start3A_121] : memref<16384x32x128xf32, #tpu.memory_space<hbm>> -> memref<1x26x64xf32, #tpu.memory_space<hbm>>
      %dma_start3A_123 = tpu.memref_squeeze %dma_start3A_122 : memref<1x26x64xf32, #tpu.memory_space<hbm>> -> memref<26x64xf32, #tpu.memory_space<hbm>>
      %dma_start3A_124 = arith.constant 0 : i32
      %dma_start3A_125 = arith.constant 0 : i32
      %dma_start3A_126 = tpu.memref_slice %arg4[%add3A_108, %dma_start3A_124, %dma_start3A_125] : memref<16384x32x128xf32, #tpu.memory_space<hbm>> -> memref<1x26x64xf32, #tpu.memory_space<hbm>>
      %dma_start3A_127 = tpu.memref_squeeze %dma_start3A_126 : memref<1x26x64xf32, #tpu.memory_space<hbm>> -> memref<26x64xf32, #tpu.memory_space<hbm>>
      %dma_start3A_128 = arith.constant 364 : i32
      %dma_start3A_129 = arith.constant 0 : i32
      %dma_start3A_130 = tpu.memref_slice %arg6[%run_scoped3A_109, %dma_start3A_128, %dma_start3A_129] : memref<2x416x64xf32, #tpu.memory_space<vmem>> -> memref<1x26x64xf32, #tpu.memory_space<vmem>>
      %dma_start3A_131 = tpu.memref_squeeze %dma_start3A_130 : memref<1x26x64xf32, #tpu.memory_space<vmem>> -> memref<26x64xf32, #tpu.memory_space<vmem>>
      tpu.enqueue_dma source(%dma_start3A_131 : memref<26x64xf32, #tpu.memory_space<vmem>>) target(%dma_start3A_127 : memref<26x64xf32, #tpu.memory_space<hbm>>) target_semaphore(%run_scoped3A_115 : memref<!tpu.dma_semaphore, #tpu.memory_space<semaphore_mem>>)
      %dma_wait3A_132 = arith.constant 364 : i32
      %dma_wait3A_133 = arith.constant 0 : i32
      %dma_wait3A_134 = tpu.memref_slice %arg6[%run_scoped3A_109, %dma_wait3A_132, %dma_wait3A_133] : memref<2x416x64xf32, #tpu.memory_space<vmem>> -> memref<1x26x64xf32, #tpu.memory_space<vmem>>
      %dma_wait3A_135 = tpu.memref_squeeze %dma_wait3A_134 : memref<1x26x64xf32, #tpu.memory_space<vmem>> -> memref<26x64xf32, #tpu.memory_space<vmem>>
      %dma_wait3A_136 = arith.constant 0 : i32
      %dma_wait3A_137 = arith.constant 0 : i32
      %dma_wait3A_138 = tpu.memref_slice %arg4[%add3A_108, %dma_wait3A_136, %dma_wait3A_137] : memref<16384x32x128xf32, #tpu.memory_space<hbm>> -> memref<1x26x64xf32, #tpu.memory_space<hbm>>
      %dma_wait3A_139 = tpu.memref_squeeze %dma_wait3A_138 : memref<1x26x64xf32, #tpu.memory_space<hbm>> -> memref<26x64xf32, #tpu.memory_space<hbm>>
      %dma_wait3A_140 = arith.constant 0 : i32
      %dma_wait3A_141 = arith.constant 0 : i32
      %dma_wait3A_142 = tpu.memref_slice %arg4[%add3A_108, %dma_wait3A_140, %dma_wait3A_141] : memref<16384x32x128xf32, #tpu.memory_space<hbm>> -> memref<1x26x64xf32, #tpu.memory_space<hbm>>
      %dma_wait3A_143 = tpu.memref_squeeze %dma_wait3A_142 : memref<1x26x64xf32, #tpu.memory_space<hbm>> -> memref<26x64xf32, #tpu.memory_space<hbm>>
      %dma_wait3A_144 = arith.constant 364 : i32
      %dma_wait3A_145 = arith.constant 0 : i32
      %dma_wait3A_146 = tpu.memref_slice %arg6[%run_scoped3A_109, %dma_wait3A_144, %dma_wait3A_145] : memref<2x416x64xf32, #tpu.memory_space<vmem>> -> memref<1x26x64xf32, #tpu.memory_space<vmem>>
      %dma_wait3A_147 = tpu.memref_squeeze %dma_wait3A_146 : memref<1x26x64xf32, #tpu.memory_space<vmem>> -> memref<26x64xf32, #tpu.memory_space<vmem>>
      tpu.wait_dma2 semaphore(%run_scoped3A_115 : memref<!tpu.dma_semaphore, #tpu.memory_space<semaphore_mem>>) src(%dma_wait3A_147 : memref<26x64xf32, #tpu.memory_space<vmem>>) dst(%dma_wait3A_143 : memref<26x64xf32, #tpu.memory_space<hbm>>)
      tpu.yield
    }) : () -> ()
    %add3A_110 = arith.constant 496 : i32
    %add3A_111 = arith.addi %mul3A_2, %add3A_110 : i32
    %add3A_112 = arith.constant 15 : i32
    %add3A_113 = arith.addi %add3A_111, %add3A_112 : i32
    %run_scoped3A_114 = arith.constant 1 : i32
    "tpu.region"() ({
      %run_scoped3A_115 = tpu.sem_alloc : memref<!tpu.dma_semaphore, #tpu.memory_space<semaphore_mem>>
      %dma_start3A_116 = arith.constant 390 : i32
      %dma_start3A_117 = arith.constant 0 : i32
      %dma_start3A_118 = tpu.memref_slice %arg6[%run_scoped3A_114, %dma_start3A_116, %dma_start3A_117] : memref<2x416x64xf32, #tpu.memory_space<vmem>> -> memref<1x26x64xf32, #tpu.memory_space<vmem>>
      %dma_start3A_119 = tpu.memref_squeeze %dma_start3A_118 : memref<1x26x64xf32, #tpu.memory_space<vmem>> -> memref<26x64xf32, #tpu.memory_space<vmem>>
      %dma_start3A_120 = arith.constant 0 : i32
      %dma_start3A_121 = arith.constant 0 : i32
      %dma_start3A_122 = tpu.memref_slice %arg4[%add3A_113, %dma_start3A_120, %dma_start3A_121] : memref<16384x32x128xf32, #tpu.memory_space<hbm>> -> memref<1x26x64xf32, #tpu.memory_space<hbm>>
      %dma_start3A_123 = tpu.memref_squeeze %dma_start3A_122 : memref<1x26x64xf32, #tpu.memory_space<hbm>> -> memref<26x64xf32, #tpu.memory_space<hbm>>
      %dma_start3A_124 = arith.constant 0 : i32
      %dma_start3A_125 = arith.constant 0 : i32
      %dma_start3A_126 = tpu.memref_slice %arg4[%add3A_113, %dma_start3A_124, %dma_start3A_125] : memref<16384x32x128xf32, #tpu.memory_space<hbm>> -> memref<1x26x64xf32, #tpu.memory_space<hbm>>
      %dma_start3A_127 = tpu.memref_squeeze %dma_start3A_126 : memref<1x26x64xf32, #tpu.memory_space<hbm>> -> memref<26x64xf32, #tpu.memory_space<hbm>>
      %dma_start3A_128 = arith.constant 390 : i32
      %dma_start3A_129 = arith.constant 0 : i32
      %dma_start3A_130 = tpu.memref_slice %arg6[%run_scoped3A_114, %dma_start3A_128, %dma_start3A_129] : memref<2x416x64xf32, #tpu.memory_space<vmem>> -> memref<1x26x64xf32, #tpu.memory_space<vmem>>
      %dma_start3A_131 = tpu.memref_squeeze %dma_start3A_130 : memref<1x26x64xf32, #tpu.memory_space<vmem>> -> memref<26x64xf32, #tpu.memory_space<vmem>>
      tpu.enqueue_dma source(%dma_start3A_131 : memref<26x64xf32, #tpu.memory_space<vmem>>) target(%dma_start3A_127 : memref<26x64xf32, #tpu.memory_space<hbm>>) target_semaphore(%run_scoped3A_115 : memref<!tpu.dma_semaphore, #tpu.memory_space<semaphore_mem>>)
      %dma_wait3A_132 = arith.constant 390 : i32
      %dma_wait3A_133 = arith.constant 0 : i32
      %dma_wait3A_134 = tpu.memref_slice %arg6[%run_scoped3A_114, %dma_wait3A_132, %dma_wait3A_133] : memref<2x416x64xf32, #tpu.memory_space<vmem>> -> memref<1x26x64xf32, #tpu.memory_space<vmem>>
      %dma_wait3A_135 = tpu.memref_squeeze %dma_wait3A_134 : memref<1x26x64xf32, #tpu.memory_space<vmem>> -> memref<26x64xf32, #tpu.memory_space<vmem>>
      %dma_wait3A_136 = arith.constant 0 : i32
      %dma_wait3A_137 = arith.constant 0 : i32
      %dma_wait3A_138 = tpu.memref_slice %arg4[%add3A_113, %dma_wait3A_136, %dma_wait3A_137] : memref<16384x32x128xf32, #tpu.memory_space<hbm>> -> memref<1x26x64xf32, #tpu.memory_space<hbm>>
      %dma_wait3A_139 = tpu.memref_squeeze %dma_wait3A_138 : memref<1x26x64xf32, #tpu.memory_space<hbm>> -> memref<26x64xf32, #tpu.memory_space<hbm>>
      %dma_wait3A_140 = arith.constant 0 : i32
      %dma_wait3A_141 = arith.constant 0 : i32
      %dma_wait3A_142 = tpu.memref_slice %arg4[%add3A_113, %dma_wait3A_140, %dma_wait3A_141] : memref<16384x32x128xf32, #tpu.memory_space<hbm>> -> memref<1x26x64xf32, #tpu.memory_space<hbm>>
      %dma_wait3A_143 = tpu.memref_squeeze %dma_wait3A_142 : memref<1x26x64xf32, #tpu.memory_space<hbm>> -> memref<26x64xf32, #tpu.memory_space<hbm>>
      %dma_wait3A_144 = arith.constant 390 : i32
      %dma_wait3A_145 = arith.constant 0 : i32
      %dma_wait3A_146 = tpu.memref_slice %arg6[%run_scoped3A_114, %dma_wait3A_144, %dma_wait3A_145] : memref<2x416x64xf32, #tpu.memory_space<vmem>> -> memref<1x26x64xf32, #tpu.memory_space<vmem>>
      %dma_wait3A_147 = tpu.memref_squeeze %dma_wait3A_146 : memref<1x26x64xf32, #tpu.memory_space<vmem>> -> memref<26x64xf32, #tpu.memory_space<vmem>>
      tpu.wait_dma2 semaphore(%run_scoped3A_115 : memref<!tpu.dma_semaphore, #tpu.memory_space<semaphore_mem>>) src(%dma_wait3A_147 : memref<26x64xf32, #tpu.memory_space<vmem>>) dst(%dma_wait3A_143 : memref<26x64xf32, #tpu.memory_space<hbm>>)
      tpu.yield
    }) : () -> ()
    return
  }
}

</mosaic_0001>

<sc_bundles>
// kernel: kernel.3.cloned.1.call-start
scs
__scs_entry_jumppad:
0x0: {  	(pc) =	sbr.rel $0x88, $3  }
0x1: {  	(tag) =	ssettag $0x0;
	lr =	simm.s32 $0x1  }
0x2: {  	[smem:$0x3F9F] =	sst lr;
	_ =	strace $0xD0000000  }
0x3: {  	_ = 	snop  }
0x4: {  	_ = 	snop  }
0x5: {  	_ = 	snop  }
0x6: {  	_ = 	snop  }
0x7: {  	_ = 	snop  }
__scs_overlays_trampoline_lowered:
0x8: {  	[smem:$0x3FAE] =	sst s0  }
0x9: {  	[smem:$0x3FAF] =	sst s1  }
0xa: {  	[smem:$0x3FB0] =	sst s2  }
0xb: {  	[smem:$0x3FB1] =	sst s3  }
0xc: {  	[smem:$0x3FB2] =	sst s4  }
0xd: {  	[smem:$0x3FB3] =	sst s5  }
0xe: {  	[smem:$0x3FB4] =	sst s6  }
0xf: {  	[smem:$0x3FB5] =	sst s7  }
0x10: {  	[smem:$0x3FB6] =	sst s8  }
0x11: {  	[smem:$0x3FB7] =	sst s9;
	s0 =	simm.s32 @!p0 $0x0  }
0x12: {  	s1 =	sld [smem:$0x3F9D];
	s0 =	simm.s32 @p0 $0x1  }
0x13: {  	[smem:$0x3FB8] =	sst s0;
	s0 =	simm.s32 @!p1 $0x0  }
0x14: {  	s2 =	sld [smem:$0x3F9C];
	s0 =	simm.s32 @p1 $0x1  }
0x15: {  	[smem:$0x3FB9] =	sst s0;
	s0 =	simm.s32 @!p2 $0x0  }
0x16: {  	s3 =	sld [smem:$0x3FDB];
	s0 =	simm.s32 @p2 $0x1  }
0x17: {  	s4 =	simm.s32 $0x1BF5;
	[smem:$0x3FBB] =	sst s0  }
0x18: {  	s0 =	sld [smem:$0x3F9E];
	_ =	swait.ge [sflag:s4], $0x0  }
0x19: {  	s7 =	sld [smem:$0x3F9F]  }
0x1a: {  	s8 =	sadd.s32 $0xFFFFE003, lr  }
0x1b: {  	s9 =	sadd.s32 $0xFFFFFEF7, lr;
	s5 =	simm.s32 $0xFFFFFFFF;
	p2 =	slt.u32 s8, $0xFFFFF086  }
0x1c: {  	p1 =	slt.u32 s9, $0xF7A;
	s5 =	simm.s32 @!p2 $0x0  }
0x1d: {  	s5 =	simm.s32 @p1 $0x1;
	p0 =	seq.s32 s7, s2  }
0x1e: {  	s7 =	smul.u32 @!p0 $0xF7A, s2;
	p2 =	seq.s32 @!p0 s5, $0x0  }
0x1f: {  	s9 =	smul.u32 $0xF7A, s1;
	s8 =	simm.s32 @!p0 $0x1BF5;
	p2 =	por !p2, p0  }
0x20: {  	[sflag:s8] =	ssyncset.s32 @!p0 $0xFFFFF086;
	s6 =	sadd.s32 @!p0 s3, s7;
	s7 =	simm.s32 @!p0 $0x108  }
0x21: {  	s3 =	sadd.s32 s3, s9;
	s6 =	sadd.s32 @!p0 $0x88, s6;
	s7 =	simm.s32 @p2 $0x1082  }
0x22: {  	[simem:s7], [sflag:s8] =	dma.local @!p0 [hbm:s6], $0xF7A  }
0x23: {  	s9 =	sor.u32 $0xD0000000, s2;
	s6 =	simm.s32 $0x108;
	_ =	swait.ge @!p0 [sflag:s8], $0x0  }
0x24: {  	s3 =	sadd.s32 $0x88, s3;
	s6 =	simm.s32 @!p1 $0x1082;
	[sflag:s4] =	ssyncset.s32 $0xFFFFF086  }
0x25: {  	[simem:s6], [sflag:s4] =	dma.local [hbm:s3], $0xF7A  }
0x26: {  	[smem:$0x3F9F] =	sst s1;
	(tag) =	ssettag s2;
	_ =	strace s9  }
0x27: {  	s1 =	sld [smem:$0x3FAF]  }
0x28: {  	s2 =	sld [smem:$0x3FB0]  }
0x29: {  	s4 =	sld [smem:$0x3FB2]  }
0x2a: {  	p0 =	seq.s32 s5, $0x0;
	s5 =	sld [smem:$0x3FB3]  }
0x2b: {  	s6 =	sld [smem:$0x3FB4]  }
0x2c: {  	s7 =	sld [smem:$0x3FB5]  }
0x2d: {  	s3 =	simm.s32 $0x108;
	s8 =	sld [smem:$0x3FB6]  }
0x2e: {  	s3 =	simm.s32 @!p0 $0x1082;
	s9 =	sld [smem:$0x3FB7]  }
0x2f: {  	lr =	sadd.s32 s0, s3;
	s0 =	sld [smem:$0x3FAE]  }
0x30: {  	s3 =	sld [smem:$0x3FB1]  }
0x31: {  	[smem:$0x3FBA] =	sst s10  }
0x32: {  	s10 =	sld [smem:$0x3FB8];
	_ =	sdelay $0x3  }
0x33: {  	p0 =	seq.s32 s10, $0x1;
	s10 =	sld [smem:$0x3FBA];
	_ =	sdelay $0x3  }
0x34: {  	[smem:$0x3FBA] =	sst s10  }
0x35: {  	s10 =	sld [smem:$0x3FB9];
	_ =	sdelay $0x3  }
0x36: {  	p1 =	seq.s32 s10, $0x1;
	s10 =	sld [smem:$0x3FBA];
	_ =	sdelay $0x3  }
0x37: {  	[smem:$0x3FBA] =	sst s10  }
0x38: {  	s10 =	sld [smem:$0x3FBB]  }
0x39: {  	_ = 	snop;
	(pc) =	sbr.ind lr, $3  }
0x3a: {  	_ = 	snop  }
0x3b: {  	_ = 	snop  }
0x3c: {  	p2 =	seq.s32 s10, $0x1;
	s10 =	sld [smem:$0x3FBA]  }
0x3d: {  	_ =	shalt  }
0x3e: {  	_ =	shalt  }
0x3f: {  	_ =	shalt  }
0x40: {  	_ =	shalt  }
0x41: {  	_ =	shalt  }
0x42: {  	_ =	shalt  }
0x43: {  	_ =	shalt  }
0x44: {  	_ =	shalt  }
0x45: {  	_ =	shalt  }
0x46: {  	_ =	shalt  }
0x47: {  	_ =	shalt  }
0x48: {  	_ =	shalt  }
0x49: {  	_ =	shalt  }
0x4a: {  	_ =	shalt  }
0x4b: {  	_ =	shalt  }
0x4c: {  	_ =	shalt  }
0x4d: {  	_ =	shalt  }
0x4e: {  	_ =	shalt  }
0x4f: {  	_ =	shalt  }
0x50: {  	_ =	shalt  }
0x51: {  	_ =	shalt  }
0x52: {  	_ =	shalt  }
0x53: {  	_ =	shalt  }
0x54: {  	_ =	shalt  }
0x55: {  	_ =	shalt  }
0x56: {  	_ =	shalt  }
0x57: {  	_ =	shalt  }
0x58: {  	_ =	shalt  }
0x59: {  	_ =	shalt  }
0x5a: {  	_ =	shalt  }
0x5b: {  	_ =	shalt  }
0x5c: {  	_ =	shalt  }
0x5d: {  	_ =	shalt  }
0x5e: {  	_ =	shalt  }
0x5f: {  	_ =	shalt  }
0x60: {  	_ =	shalt  }
0x61: {  	_ =	shalt  }
0x62: {  	_ =	shalt  }
0x63: {  	_ =	shalt  }
0x64: {  	_ =	shalt  }
0x65: {  	_ =	shalt  }
0x66: {  	_ =	shalt  }
0x67: {  	_ =	shalt  }
0x68: {  	_ =	shalt  }
0x69: {  	_ =	shalt  }
0x6a: {  	_ =	shalt  }
0x6b: {  	_ =	shalt  }
0x6c: {  	_ =	shalt  }
0x6d: {  	_ =	shalt  }
0x6e: {  	_ =	shalt  }
0x6f: {  	_ =	shalt  }
0x70: {  	_ =	shalt  }
0x71: {  	_ =	shalt  }
0x72: {  	_ =	shalt  }
0x73: {  	_ =	shalt  }
0x74: {  	_ =	shalt  }
0x75: {  	_ =	shalt  }
0x76: {  	_ =	shalt  }
0x77: {  	_ =	shalt  }
0x78: {  	_ =	shalt  }
0x79: {  	_ =	shalt  }
0x7a: {  	_ =	shalt  }
0x7b: {  	_ =	shalt  }
0x7c: {  	_ =	shalt  }
0x7d: {  	_ =	shalt  }
0x7e: {  	_ =	shalt  }
0x7f: {  	_ =	shalt  }
0x80: {  	_ =	shalt  }
0x81: {  	_ =	shalt  }
0x82: {  	_ =	shalt  }
0x83: {  	_ =	shalt  }
0x84: {  	_ =	shalt  }
0x85: {  	_ =	shalt  }
0x86: {  	_ =	shalt  }
0x87: {  	_ =	shalt  }
.Lfunc_end0:
.L_simem_size_0:
called_computation.1_lowered:
.L_overlay_start_0:
0x88: {  	s2 =	sld [smem:$0x3FD9]  }
0x89: {  	s3 =	sld [smem:$0x3FFE];
	_ =	sdelay $0x1  }
0x8a: {  	s1 =	srdreg.scid  }
0x8b: {  	s0 =	sand.u32 $0x1, s1  }
0x8c: {  	s17 =	sshll.u32 s0, $0xA;
	s2 =	sadd.s32 s3, s2  }
0x8d: {  	s2 =	sadd.s32 s2, s17  }
0x8e: {  	[smem:$0x3FC6] =	sst s2  }
0x8f: {  	_ = 	snop  }
0x90: {  	s2 =	sld [smem:$0x3FD0];
	(tm) =	ssettm $0x1  }
0x91: {  	s18 =	sld [smem:$0x3FFB];
	_ =	sdelay $0x3  }
0x92: {  	_ =	strace s18  }
0x93: {  	s3 =	sld [smem:$0x3FFC];
	_ =	sdelay $0x3  }
0x94: {  	_ =	strace s3  }
0x95: {  	s3 =	sld [smem:$0x3FFD];
	_ =	sdelay $0x3  }
0x96: {  	_ =	strace s3  }
0x97: {  	_ =	strace $0x8FFFFFFF  }
0x98: {  	s19 =	sld [smem:$0x3FDB];
	_ =	sdelay $0x1  }
0x99: {  	s4 =	simm.s32 $_scs_section_size  }
0x9a: {  	s5 =	simm.s32 $_size__tile_overlayer_lowered;
	s6 =	simm.s32 $_tile_overlayer_lowered  }
0x9b: {  	s22 =	simm.s32 $0x1BFF;
	s21 =	sshll.u32 s6, $0x1;
	s3 =	sadd.s32 s4, s19  }
0x9c: {  	s7 =	simm.s32 $0x0;
	s20 =	sshll.u32 s5, $0x1;
	s5 =	sadd.s32 s21, s3  }
0x9d: {  	[timem:s7], [sflag:s22] =	dma.local [hbm:s5], s20  }
0x9e: {  	_ =	swait.ge [sflag:s22], s20  }
0x9f: {  	s4 =	ssub.s32 $0x0, s20;
	[sflag:s22] =	ssyncset.done $0x0  }
0xa0: {  	[sflag:s22] =	ssyncadd.s32 s4;
	_ =	sdelay $0x1  }
0xa1: {  	s23 =	simm.s32 $0x1B8B  }
0xa2: {  	_ =	swait.ge [sflag:s23], $0x1  }
0xa3: {  	[sflag:s23] =	ssyncset.done $0x0  }
0xa4: {  	s25 =	simm.s32 $0x1B8E;
	s24 =	sld [smem:$0x3FFE];
	[sflag:s23] =	ssyncadd.s32 $0xFFFFFFFF  }
0xa5: {  	s26 =	simm.s32 $execute0_lowered;
	[smem:$0x3FD2] =	sst s25  }
0xa6: {  	s5 =	sshll.u32 s26, $0x1;
	_ =	strace $0x80000046;
	[dreg:$0x1] =	wrdreg $0xFFFFFFFF  }
0xa7: {  	s28 =	simm.s32 $_size_execute0_lowered;
	s3 =	sadd.s32 s3, s5;
	[dreg:$0x0] =	wrdreg $0x0  }
0xa8: {  	s5 =	sshll.u32 s28, $0x1;
	[dreg:$0x2] =	wrdreg s3  }
0xa9: {  	[dreg:$0x3] =	wrdreg s5  }
0xaa: {  	[dreg:$0x4] =	wrdreg $0xC0  }
0xab: {  	_ =	task [dreg:s7], $0x5FFFF  }
0xac: {  	[dreg:$0x1] =	wrdreg $0xFFFFFFFF  }
0xad: {  	[dreg:$0x0] =	wrdreg $0x60  }
0xae: {  	[dreg:$0x2] =	wrdreg s2  }
0xaf: {  	[dreg:$0x3] =	wrdreg s24  }
0xb0: {  	[dreg:$0x4] =	wrdreg $0x9  }
0xb1: {  	_ =	task.clear_ibuf [dreg:s7], $0x5FFFF;
	_ =	strace $0x90000046  }
0xb2: {  	s29 =	simm.s32 $0x9;
	_ =	strace $0x80000048  }
0xb3: {  	_ =	swait.ge [sflag:s29], $0x1  }
0xb4: {  	[sflag:s29] =	ssyncadd.s32 $0xFFFFFFFF  }
0xb5: {  	_ =	strace $0x90000048  }
0xb6: {  	_ =	sfence  }
0xb7: {  	s30 =	sld [smem:$0x0];
	_ =	sdelay $0x2  }
0xb8: {  	s31 =	sshll.u32 s1, $0xD;
	s1 =	sshrl.u32 s1, $0x2  }
0xb9: {  	s3 =	sand.u32 $0x4000, s31;
	s1 =	sadd.s32 s1, s30  }
0xba: {  	s0 =	sor.u32 s3, s0;
	s1 =	sshll.u32 s1, $0x11  }
0xbb: {  	s0 =	sor.u32 s1, s0  }
0xbc: {  	s0 =	sadd.s32 $0x8F2B, s0  }
0xbd: {  	[sflag:s0] =	ssyncadd.remote.s32 $0x1  }
0xbe: {  	_ =	sfence.sel $0xFFFF  }
0xbf: {  	[dreg:$0x0] =	wrdreg $0xFFFFFFFF;
	(pc) =	sbr.abs _section_cstart, $3  }
0xc0: {  	[dreg:$0x1] =	wrdreg $0xFFFFFFFF  }
0xc1: {  	_ =	task.clear_ibuf [dreg:s7], $0x2FFFF;
	_ =	strace $0x9FFFFFFF  }
0xc2: {  	(tm) =	ssettm $0x7FFFFFFF  }
0xc3: {  	_ =	shalt  }
tec
execute0_lowered:
.L_overlay_start_1:
0x0: {  	(tag) =	ssettag $0x1  }
0x1: {  	s0 =	rddreg [dreg:$0x0]  }
0x2: {  	s1 =	rddreg [dreg:$0x1];
	s2 =	simm.s32 $0x0;
	s3 =	srdreg.scid  }
0x3: {  	s19 =	stileid.u32;
	s22 =	simm.s32 $0x3;
	s28 =	simm.s32 $0x2  }
0x4: {  	[smem:$0x7FF] =	sst s2;
	s4 =	sand.u32 $0x1, s3;
	s24 =	sshll.u32 s19, $0x1  }
0x5: {  	s3 =	sadd.s32 $0xF42E00, s1;
	s1 =	sadd.s32 $0xA00, s1;
	s20 =	sshll.u32 s19, $0x13  }
0x6: {  	_ =	strace $0x80000047;
	s5 =	sor.u32 s4, s24;
	s6 =	ssub.s32 $0x2, s4  }
0x7: {  	s4 =	sshll.u32 s4, $0x12;
	s7 =	smul.u32 $0x680, s5;
	s8 =	sshrl.u32 s6, $0x1  }
0x8: {  	s24 =	simm.s32 $0x1A0;
	s5 =	sshll.u32 s5, $0x12;
	s21 =	ssub.s32 s6, s8  }
0x9: {  	s25 =	sadd.s32 s5, s1;
	s1 =	sadd.s32 s20, s1;
	s0 =	sadd.s32 s0, s7  }
0xa: {  	s5 =	sadd.s32 $0x3E000, s25;
	s26 =	sadd.s32 $0x3E200, s25;
	s29 =	sadd.s32 $0x3E400, s25  }
0xb: {  	s30 =	sadd.s32 $0x3E600, s25;
	s9 =	sadd.s32 $0x3E800, s25;
	s10 =	sadd.s32 $0x3EA00, s25  }
0xc: {  	s11 =	sadd.s32 $0x3EC00, s25;
	s12 =	sadd.s32 $0x3EE00, s25;
	s13 =	sadd.s32 $0x3F000, s25  }
0xd: {  	s14 =	sadd.s32 $0x3F200, s25;
	s15 =	sadd.s32 $0x3F400, s25;
	[dreg:$0x4] =	wrdreg s0  }
0xe: {  	s16 =	sadd.s32 $0x3F600, s25;
	s17 =	sadd.s32 $0x3F800, s25;
	[dreg:$0x5] =	wrdreg s5  }
0xf: {  	s18 =	sadd.s32 $0x3FA00, s25;
	s19 =	sadd.s32 $0x3FC00, s25;
	[dreg:$0x6] =	wrdreg s26  }
0x10: {  	s20 =	sadd.s32 $0x3FE00, s25;
	s21 =	smax.u32 s21, $0x1;
	[dreg:$0x7] =	wrdreg s29  }
0x11: {  	s31 =	sadd.s32 s4, s1;
	s25 =	simm.s32 $0x40;
	[dreg:$0x8] =	wrdreg s30  }
0x12: {  	s1 =	simm.s32 $0x0;
	[dreg:$0x3] =	wrdreg s31;
	s26 =	simm.s32 $0x80  }
.LBB2_1:
0x13: {  	s0 =	rddreg [dreg:$0x4]  }
0x14: {  	[tilespmem:s2], [sflag:$0x3] =	stream.linear.gather [hbm4b:s0+s2], $0x3400, $0x38;
	[tilespmem:$0x10400] =	vst v63  }
0x15: {  	s7 =	simm.s32 $0x3400;
	s8 =	sand.u32 $0x1, s2;
	_ =	swait.ge [sflag:s22], $0x3400  }
0x16: {  	s4 =	sxor.u32 $0x1, s8;
	s23 =	smul.u32 $0x1A000, s8;
	[sflag:s22] =	ssyncset.done $0x0  }
0x17: {  	s29 =	sadd.s32 $0x1, s8;
	s30 =	smul.u32 $0x1A000, s4;
	[sflag:s22] =	ssyncadd.s32 $0xFFFFCC00  }
0x18: {  	[tilespmem:s7], [sflag:$0x1] =	stream.indirect.gather [hbm4b:s3+s24], $0x40, s2, s24, $0xb8;
	[tilespmem:$0x10400] =	vst v63  }
0x19: {  	s4 =	sadd.s32 $0x1, s4;
	_ =	swait.ge [sflag:s29], $0x6800  }
0x1a: {  	s0 =	sshrl.u32 s23, $0x2;
	s5 =	sshrl.u32 s30, $0x2;
	[sflag:s29] =	ssyncset.done $0x0  }
0x1b: {  	s23 =	sadd.s32 $0x3400, s5;
	s30 =	rddreg [dreg:$0x3];
	[sflag:s29] =	ssyncadd.s32 $0xFFFF9800  }
0x1c: {  	[tilespmem:s23], [sflag:s4] =	stream.indirect.gather [hbm4b:s3+s24], $0x40, s24, s24, $0xb8;
	[tilespmem:$0x10400] =	vst v63  }
0x1d: {  	s6 =	sadd.s32 $0x3400, s0;
	s4 =	sadd.s32 $0x0, s30  }
0x1e: {  	[hbm4b:s4+s25] =	stream.strided.scatter [tilespmem:s6], [sflag:$0x3], $0x680, s26, s25, $0x38;
	[tilespmem:$0x10400] =	vst v63  }
0x1f: {  	_ =	swait.ge [sflag:s22], $0x680  }
0x20: {  	[sflag:s22] =	ssyncset.done $0x0  }
0x21: {  	s29 =	sadd.s32 $0x3A80, s0;
	s7 =	sadd.s32 $0x200, s4;
	[sflag:s22] =	ssyncadd.s32 $0xFFFFF980  }
0x22: {  	[hbm4b:s7+s25] =	stream.strided.scatter [tilespmem:s29], [sflag:$0x3], $0x680, s26, s25, $0x38;
	[tilespmem:$0x10400] =	vst v63  }
0x23: {  	_ =	swait.ge [sflag:s22], $0x680  }
0x24: {  	[sflag:s22] =	ssyncset.done $0x0  }
0x25: {  	s8 =	sadd.s32 $0x400, s4;
	s29 =	sadd.s32 $0x4100, s0;
	[sflag:s22] =	ssyncadd.s32 $0xFFFFF980  }
0x26: {  	[hbm4b:s8+s25] =	stream.strided.scatter [tilespmem:s29], [sflag:$0x3], $0x680, s26, s25, $0x38;
	[tilespmem:$0x10400] =	vst v63  }
0x27: {  	_ =	swait.ge [sflag:s22], $0x680  }
0x28: {  	[sflag:s22] =	ssyncset.done $0x0  }
0x29: {  	s5 =	sadd.s32 $0x600, s4;
	s29 =	sadd.s32 $0x4780, s0;
	[sflag:s22] =	ssyncadd.s32 $0xFFFFF980  }
0x2a: {  	[hbm4b:s5+s25] =	stream.strided.scatter [tilespmem:s29], [sflag:$0x3], $0x680, s26, s25, $0x38;
	[tilespmem:$0x10400] =	vst v63  }
0x2b: {  	_ =	swait.ge [sflag:s22], $0x680  }
0x2c: {  	[sflag:s22] =	ssyncset.done $0x0  }
0x2d: {  	s6 =	sadd.s32 $0x800, s4;
	s29 =	sadd.s32 $0x4E00, s0;
	[sflag:s22] =	ssyncadd.s32 $0xFFFFF980  }
0x2e: {  	[hbm4b:s6+s25] =	stream.strided.scatter [tilespmem:s29], [sflag:$0x3], $0x680, s26, s25, $0x38;
	[tilespmem:$0x10400] =	vst v63  }
0x2f: {  	_ =	swait.ge [sflag:s22], $0x680  }
0x30: {  	[sflag:s22] =	ssyncset.done $0x0  }
0x31: {  	s7 =	sadd.s32 $0xA00, s4;
	s29 =	sadd.s32 $0x5480, s0;
	[sflag:s22] =	ssyncadd.s32 $0xFFFFF980  }
0x32: {  	[hbm4b:s7+s25] =	stream.strided.scatter [tilespmem:s29], [sflag:$0x3], $0x680, s26, s25, $0x38;
	[tilespmem:$0x10400] =	vst v63  }
0x33: {  	_ =	swait.ge [sflag:s22], $0x680  }
0x34: {  	[sflag:s22] =	ssyncset.done $0x0  }
0x35: {  	s8 =	sadd.s32 $0xC00, s4;
	s29 =	sadd.s32 $0x5B00, s0;
	[sflag:s22] =	ssyncadd.s32 $0xFFFFF980  }
0x36: {  	[hbm4b:s8+s25] =	stream.strided.scatter [tilespmem:s29], [sflag:$0x3], $0x680, s26, s25, $0x38;
	[tilespmem:$0x10400] =	vst v63  }
0x37: {  	_ =	swait.ge [sflag:s22], $0x680  }
0x38: {  	[sflag:s22] =	ssyncset.done $0x0  }
0x39: {  	s5 =	sadd.s32 $0xE00, s4;
	s29 =	sadd.s32 $0x6180, s0;
	[sflag:s22] =	ssyncadd.s32 $0xFFFFF980  }
0x3a: {  	[hbm4b:s5+s25] =	stream.strided.scatter [tilespmem:s29], [sflag:$0x3], $0x680, s26, s25, $0x38;
	[tilespmem:$0x10400] =	vst v63  }
0x3b: {  	_ =	swait.ge [sflag:s22], $0x680  }
0x3c: {  	[sflag:s22] =	ssyncset.done $0x0  }
0x3d: {  	s6 =	sadd.s32 $0x1000, s4;
	s29 =	sadd.s32 $0x6800, s0;
	[sflag:s22] =	ssyncadd.s32 $0xFFFFF980  }
0x3e: {  	[hbm4b:s6+s25] =	stream.strided.scatter [tilespmem:s29], [sflag:$0x3], $0x680, s26, s25, $0x38;
	[tilespmem:$0x10400] =	vst v63  }
0x3f: {  	_ =	swait.ge [sflag:s22], $0x680  }
0x40: {  	[sflag:s22] =	ssyncset.done $0x0  }
0x41: {  	s7 =	sadd.s32 $0x1200, s4;
	s29 =	sadd.s32 $0x6E80, s0;
	[sflag:s22] =	ssyncadd.s32 $0xFFFFF980  }
0x42: {  	[hbm4b:s7+s25] =	stream.strided.scatter [tilespmem:s29], [sflag:$0x3], $0x680, s26, s25, $0x38;
	[tilespmem:$0x10400] =	vst v63  }
0x43: {  	_ =	swait.ge [sflag:s22], $0x680  }
0x44: {  	[sflag:s22] =	ssyncset.done $0x0  }
0x45: {  	s8 =	sadd.s32 $0x1400, s4;
	s29 =	sadd.s32 $0x7500, s0;
	[sflag:s22] =	ssyncadd.s32 $0xFFFFF980  }
0x46: {  	[hbm4b:s8+s25] =	stream.strided.scatter [tilespmem:s29], [sflag:$0x3], $0x680, s26, s25, $0x38;
	[tilespmem:$0x10400] =	vst v63  }
0x47: {  	_ =	swait.ge [sflag:s22], $0x680  }
0x48: {  	[sflag:s22] =	ssyncset.done $0x0  }
0x49: {  	s5 =	sadd.s32 $0x1600, s4;
	s29 =	sadd.s32 $0x7B80, s0;
	[sflag:s22] =	ssyncadd.s32 $0xFFFFF980  }
0x4a: {  	[hbm4b:s5+s25] =	stream.strided.scatter [tilespmem:s29], [sflag:$0x3], $0x680, s26, s25, $0x38;
	[tilespmem:$0x10400] =	vst v63  }
0x4b: {  	_ =	swait.ge [sflag:s22], $0x680  }
0x4c: {  	[sflag:s22] =	ssyncset.done $0x0  }
0x4d: {  	s6 =	sadd.s32 $0x1800, s4;
	s29 =	sor.u32 $0x8200, s0;
	[sflag:s22] =	ssyncadd.s32 $0xFFFFF980  }
0x4e: {  	[hbm4b:s6+s25] =	stream.strided.scatter [tilespmem:s29], [sflag:$0x3], $0x680, s26, s25, $0x38;
	[tilespmem:$0x10400] =	vst v63  }
0x4f: {  	_ =	swait.ge [sflag:s22], $0x680  }
0x50: {  	[sflag:s22] =	ssyncset.done $0x0  }
0x51: {  	s7 =	sadd.s32 $0x1A00, s4;
	s29 =	sadd.s32 $0x8880, s0;
	[sflag:s22] =	ssyncadd.s32 $0xFFFFF980  }
0x52: {  	[hbm4b:s7+s25] =	stream.strided.scatter [tilespmem:s29], [sflag:$0x3], $0x680, s26, s25, $0x38;
	[tilespmem:$0x10400] =	vst v63  }
0x53: {  	_ =	swait.ge [sflag:s22], $0x680  }
0x54: {  	[sflag:s22] =	ssyncset.done $0x0  }
0x55: {  	s8 =	sadd.s32 $0x1C00, s4;
	s29 =	sadd.s32 $0x8F00, s0;
	[sflag:s22] =	ssyncadd.s32 $0xFFFFF980  }
0x56: {  	[hbm4b:s8+s25] =	stream.strided.scatter [tilespmem:s29], [sflag:$0x3], $0x680, s26, s25, $0x38;
	[tilespmem:$0x10400] =	vst v63  }
0x57: {  	_ =	swait.ge [sflag:s22], $0x680  }
0x58: {  	s31 =	simm.s32 $0x1;
	[sflag:s22] =	ssyncset.done $0x0  }
0x59: {  	s4 =	sadd.s32 $0x1E00, s4;
	s0 =	sadd.s32 $0x9580, s0;
	[sflag:s22] =	ssyncadd.s32 $0xFFFFF980  }
0x5a: {  	[hbm4b:s4+s25] =	stream.strided.scatter [tilespmem:s0], [sflag:$0x3], $0x680, s26, s25, $0x38;
	[tilespmem:$0x10400] =	vst v63  }
0x5b: {  	s23 =	simm.s32 $0x2000;
	s30 =	simm.s32 $0x4000;
	_ =	swait.ge [sflag:s22], $0x680  }
0x5c: {  	s29 =	simm.s32 $0x340;
	s0 =	sand.u32 $0x1, s31;
	[sflag:s22] =	ssyncset.done $0x0  }
.LBB2_2:
0x5d: {  	s4 =	sxor.u32 $0x1, s0;
	s5 =	smul.u32 $0x1A000, s0  }
0x5e: {  	[sflag:s22] =	ssyncadd.s32 $0xFFFFF980;
	s7 =	sadd.s32 $0x1, s0;
	s8 =	smul.u32 $0x1A000, s4  }
0x5f: {  	_ =	swait.ge [sflag:s7], $0x6800;
	s4 =	sadd.s32 $0x1, s4  }
0x60: {  	s0 =	sshrl.u32 s5, $0x2;
	[sflag:s7] =	ssyncset.done $0x0;
	s5 =	sshrl.u32 s8, $0x2  }
0x61: {  	s8 =	rddreg [dreg:$0x3];
	[sflag:s7] =	ssyncadd.s32 $0xFFFF9800;
	s5 =	sadd.s32 $0x3400, s5  }
0x62: {  	[tilespmem:s5], [sflag:s4] =	stream.indirect.gather [hbm4b:s3+s24], $0x40, s29, s24, $0xb8;
	[tilespmem:$0x10400] =	vst v63  }
0x63: {  	s4 =	sadd.s32 s23, s8;
	s8 =	sadd.s32 $0x3400, s0  }
0x64: {  	[hbm4b:s4+s25] =	stream.strided.scatter [tilespmem:s8], [sflag:$0x3], $0x680, s26, s25, $0x38;
	[tilespmem:$0x10400] =	vst v63  }
0x65: {  	_ =	swait.ge [sflag:s22], $0x680  }
0x66: {  	[sflag:s22] =	ssyncset.done $0x0  }
0x67: {  	s7 =	sadd.s32 $0x200, s4;
	s8 =	sadd.s32 $0x3A80, s0;
	[sflag:s22] =	ssyncadd.s32 $0xFFFFF980  }
0x68: {  	[hbm4b:s7+s25] =	stream.strided.scatter [tilespmem:s8], [sflag:$0x3], $0x680, s26, s25, $0x38;
	[tilespmem:$0x10400] =	vst v63  }
0x69: {  	_ =	swait.ge [sflag:s22], $0x680  }
0x6a: {  	[sflag:s22] =	ssyncset.done $0x0  }
0x6b: {  	s7 =	sadd.s32 $0x400, s4;
	s8 =	sadd.s32 $0x4100, s0;
	[sflag:s22] =	ssyncadd.s32 $0xFFFFF980  }
0x6c: {  	[hbm4b:s7+s25] =	stream.strided.scatter [tilespmem:s8], [sflag:$0x3], $0x680, s26, s25, $0x38;
	[tilespmem:$0x10400] =	vst v63  }
0x6d: {  	_ =	swait.ge [sflag:s22], $0x680  }
0x6e: {  	[sflag:s22] =	ssyncset.done $0x0  }
0x6f: {  	s7 =	sadd.s32 $0x600, s4;
	s8 =	sadd.s32 $0x4780, s0;
	[sflag:s22] =	ssyncadd.s32 $0xFFFFF980  }
0x70: {  	[hbm4b:s7+s25] =	stream.strided.scatter [tilespmem:s8], [sflag:$0x3], $0x680, s26, s25, $0x38;
	[tilespmem:$0x10400] =	vst v63  }
0x71: {  	_ =	swait.ge [sflag:s22], $0x680  }
0x72: {  	[sflag:s22] =	ssyncset.done $0x0  }
0x73: {  	s7 =	sadd.s32 $0x800, s4;
	s8 =	sadd.s32 $0x4E00, s0;
	[sflag:s22] =	ssyncadd.s32 $0xFFFFF980  }
0x74: {  	[hbm4b:s7+s25] =	stream.strided.scatter [tilespmem:s8], [sflag:$0x3], $0x680, s26, s25, $0x38;
	[tilespmem:$0x10400] =	vst v63  }
0x75: {  	_ =	swait.ge [sflag:s22], $0x680  }
0x76: {  	[sflag:s22] =	ssyncset.done $0x0  }
0x77: {  	s7 =	sadd.s32 $0xA00, s4;
	s8 =	sadd.s32 $0x5480, s0;
	[sflag:s22] =	ssyncadd.s32 $0xFFFFF980  }
0x78: {  	[hbm4b:s7+s25] =	stream.strided.scatter [tilespmem:s8], [sflag:$0x3], $0x680, s26, s25, $0x38;
	[tilespmem:$0x10400] =	vst v63  }
0x79: {  	_ =	swait.ge [sflag:s22], $0x680  }
0x7a: {  	[sflag:s22] =	ssyncset.done $0x0  }
0x7b: {  	s7 =	sadd.s32 $0xC00, s4;
	s8 =	sadd.s32 $0x5B00, s0;
	[sflag:s22] =	ssyncadd.s32 $0xFFFFF980  }
0x7c: {  	[hbm4b:s7+s25] =	stream.strided.scatter [tilespmem:s8], [sflag:$0x3], $0x680, s26, s25, $0x38;
	[tilespmem:$0x10400] =	vst v63  }
0x7d: {  	_ =	swait.ge [sflag:s22], $0x680  }
0x7e: {  	[sflag:s22] =	ssyncset.done $0x0  }
0x7f: {  	s7 =	sadd.s32 $0xE00, s4;
	s8 =	sadd.s32 $0x6180, s0;
	[sflag:s22] =	ssyncadd.s32 $0xFFFFF980  }
0x80: {  	[hbm4b:s7+s25] =	stream.strided.scatter [tilespmem:s8], [sflag:$0x3], $0x680, s26, s25, $0x38;
	[tilespmem:$0x10400] =	vst v63  }
0x81: {  	_ =	swait.ge [sflag:s22], $0x680  }
0x82: {  	[sflag:s22] =	ssyncset.done $0x0  }
0x83: {  	s7 =	sadd.s32 $0x1000, s4;
	s8 =	sadd.s32 $0x6800, s0;
	[sflag:s22] =	ssyncadd.s32 $0xFFFFF980  }
0x84: {  	[hbm4b:s7+s25] =	stream.strided.scatter [tilespmem:s8], [sflag:$0x3], $0x680, s26, s25, $0x38;
	[tilespmem:$0x10400] =	vst v63  }
0x85: {  	_ =	swait.ge [sflag:s22], $0x680  }
0x86: {  	[sflag:s22] =	ssyncset.done $0x0  }
0x87: {  	s7 =	sadd.s32 $0x1200, s4;
	s8 =	sadd.s32 $0x6E80, s0;
	[sflag:s22] =	ssyncadd.s32 $0xFFFFF980  }
0x88: {  	[hbm4b:s7+s25] =	stream.strided.scatter [tilespmem:s8], [sflag:$0x3], $0x680, s26, s25, $0x38;
	[tilespmem:$0x10400] =	vst v63  }
0x89: {  	_ =	swait.ge [sflag:s22], $0x680  }
0x8a: {  	[sflag:s22] =	ssyncset.done $0x0  }
0x8b: {  	s7 =	sadd.s32 $0x1400, s4;
	s8 =	sadd.s32 $0x7500, s0;
	[sflag:s22] =	ssyncadd.s32 $0xFFFFF980  }
0x8c: {  	[hbm4b:s7+s25] =	stream.strided.scatter [tilespmem:s8], [sflag:$0x3], $0x680, s26, s25, $0x38;
	[tilespmem:$0x10400] =	vst v63  }
0x8d: {  	_ =	swait.ge [sflag:s22], $0x680  }
0x8e: {  	[sflag:s22] =	ssyncset.done $0x0  }
0x8f: {  	s7 =	sadd.s32 $0x1600, s4;
	s8 =	sadd.s32 $0x7B80, s0;
	[sflag:s22] =	ssyncadd.s32 $0xFFFFF980  }
0x90: {  	[hbm4b:s7+s25] =	stream.strided.scatter [tilespmem:s8], [sflag:$0x3], $0x680, s26, s25, $0x38;
	[tilespmem:$0x10400] =	vst v63  }
0x91: {  	_ =	swait.ge [sflag:s22], $0x680  }
0x92: {  	[sflag:s22] =	ssyncset.done $0x0  }
0x93: {  	s7 =	sadd.s32 $0x1800, s4;
	s8 =	sor.u32 $0x8200, s0;
	[sflag:s22] =	ssyncadd.s32 $0xFFFFF980  }
0x94: {  	[hbm4b:s7+s25] =	stream.strided.scatter [tilespmem:s8], [sflag:$0x3], $0x680, s26, s25, $0x38;
	[tilespmem:$0x10400] =	vst v63  }
0x95: {  	_ =	swait.ge [sflag:s22], $0x680  }
0x96: {  	[sflag:s22] =	ssyncset.done $0x0  }
0x97: {  	s7 =	sadd.s32 $0x1A00, s4;
	s8 =	sadd.s32 $0x8880, s0;
	[sflag:s22] =	ssyncadd.s32 $0xFFFFF980  }
0x98: {  	[hbm4b:s7+s25] =	stream.strided.scatter [tilespmem:s8], [sflag:$0x3], $0x680, s26, s25, $0x38;
	[tilespmem:$0x10400] =	vst v63  }
0x99: {  	_ =	swait.ge [sflag:s22], $0x680  }
0x9a: {  	[sflag:s22] =	ssyncset.done $0x0  }
0x9b: {  	s7 =	sadd.s32 $0x1C00, s4;
	s8 =	sadd.s32 $0x8F00, s0;
	[sflag:s22] =	ssyncadd.s32 $0xFFFFF980  }
0x9c: {  	[hbm4b:s7+s25] =	stream.strided.scatter [tilespmem:s8], [sflag:$0x3], $0x680, s26, s25, $0x38;
	[tilespmem:$0x10400] =	vst v63  }
0x9d: {  	s6 =	smov.u32 s30;
	p0 =	sne.s32 s30, $0x3C000;
	_ =	swait.ge [sflag:s22], $0x680  }
.Ltmp0:
0x9e: {  	s30 =	sadd.s32 $0x2000, s30;
	[sflag:s22] =	ssyncset.done $0x0;
	(pc) =	sbr.rel @p0 .LBB2_2-.Ltmp0, $4  }
0x9f: {  	s4 =	sadd.s32 $0x1E00, s4;
	s0 =	sadd.s32 $0x9580, s0;
	[sflag:s22] =	ssyncadd.s32 $0xFFFFF980  }
0xa0: {  	[hbm4b:s4+s25] =	stream.strided.scatter [tilespmem:s0], [sflag:$0x3], $0x680, s26, s25, $0x38;
	[tilespmem:$0x10400] =	vst v63  }
0xa1: {  	s31 =	sadd.s32 $0x1, s31;
	s23 =	smov.u32 s6;
	_ =	swait.ge [sflag:s22], $0x680  }
0xa2: {  	s29 =	sadd.s32 $0x1A0, s29;
	s0 =	sand.u32 $0x1, s31;
	[sflag:s22] =	ssyncset.done $0x0  }
0xa3: {  	s4 =	sxor.u32 $0x1, s0  }
0xa4: {  	[sflag:s22] =	ssyncadd.s32 $0xFFFFF980;
	s5 =	sadd.s32 $0x1, s0;
	s6 =	smul.u32 $0x1A000, s4  }
0xa5: {  	s30 =	smul.u32 $0x1A000, s0;
	_ =	swait.ge [sflag:s5], $0x6800;
	s4 =	sadd.s32 $0x1, s4  }
0xa6: {  	[sflag:s5] =	ssyncset.done $0x0;
	s31 =	rddreg [dreg:$0x3];
	s6 =	sshrl.u32 s6, $0x2  }
0xa7: {  	s0 =	sshrl.u32 s30, $0x2;
	[sflag:s5] =	ssyncadd.s32 $0xFFFF9800;
	s6 =	sadd.s32 $0x3400, s6  }
0xa8: {  	[tilespmem:s6], [sflag:s4] =	stream.indirect.gather [hbm4b:s3+s24], $0x40, s29, s24, $0xb8;
	[tilespmem:$0x10400] =	vst v63  }
0xa9: {  	s4 =	sadd.s32 s23, s31;
	s6 =	sadd.s32 $0x3400, s0  }
0xaa: {  	[hbm4b:s4+s25] =	stream.strided.scatter [tilespmem:s6], [sflag:$0x3], $0x680, s26, s25, $0x38;
	[tilespmem:$0x10400] =	vst v63  }
0xab: {  	_ =	swait.ge [sflag:s22], $0x680  }
0xac: {  	[sflag:s22] =	ssyncset.done $0x0  }
0xad: {  	s8 =	sadd.s32 $0x3A80, s0;
	s7 =	sadd.s32 $0x200, s4;
	[sflag:s22] =	ssyncadd.s32 $0xFFFFF980  }
0xae: {  	[hbm4b:s7+s25] =	stream.strided.scatter [tilespmem:s8], [sflag:$0x3], $0x680, s26, s25, $0x38;
	[tilespmem:$0x10400] =	vst v63  }
0xaf: {  	_ =	swait.ge [sflag:s22], $0x680  }
0xb0: {  	[sflag:s22] =	ssyncset.done $0x0  }
0xb1: {  	s29 =	sadd.s32 $0x4100, s0;
	s23 =	sadd.s32 $0x400, s4;
	[sflag:s22] =	ssyncadd.s32 $0xFFFFF980  }
0xb2: {  	[hbm4b:s23+s25] =	stream.strided.scatter [tilespmem:s29], [sflag:$0x3], $0x680, s26, s25, $0x38;
	[tilespmem:$0x10400] =	vst v63  }
0xb3: {  	_ =	swait.ge [sflag:s22], $0x680  }
0xb4: {  	[sflag:s22] =	ssyncset.done $0x0  }
0xb5: {  	s31 =	sadd.s32 $0x4780, s0;
	s30 =	sadd.s32 $0x600, s4;
	[sflag:s22] =	ssyncadd.s32 $0xFFFFF980  }
0xb6: {  	[hbm4b:s30+s25] =	stream.strided.scatter [tilespmem:s31], [sflag:$0x3], $0x680, s26, s25, $0x38;
	[tilespmem:$0x10400] =	vst v63  }
0xb7: {  	_ =	swait.ge [sflag:s22], $0x680  }
0xb8: {  	[sflag:s22] =	ssyncset.done $0x0  }
0xb9: {  	s7 =	sadd.s32 $0x800, s4;
	s8 =	sadd.s32 $0x4E00, s0;
	[sflag:s22] =	ssyncadd.s32 $0xFFFFF980  }
0xba: {  	[hbm4b:s7+s25] =	stream.strided.scatter [tilespmem:s8], [sflag:$0x3], $0x680, s26, s25, $0x38;
	[tilespmem:$0x10400] =	vst v63  }
0xbb: {  	_ =	swait.ge [sflag:s22], $0x680  }
0xbc: {  	[sflag:s22] =	ssyncset.done $0x0  }
0xbd: {  	s23 =	sadd.s32 $0xA00, s4;
	s29 =	sadd.s32 $0x5480, s0;
	[sflag:s22] =	ssyncadd.s32 $0xFFFFF980  }
0xbe: {  	[hbm4b:s23+s25] =	stream.strided.scatter [tilespmem:s29], [sflag:$0x3], $0x680, s26, s25, $0x38;
	[tilespmem:$0x10400] =	vst v63  }
0xbf: {  	_ =	swait.ge [sflag:s22], $0x680  }
0xc0: {  	[sflag:s22] =	ssyncset.done $0x0  }
0xc1: {  	s30 =	sadd.s32 $0xC00, s4;
	s31 =	sadd.s32 $0x5B00, s0;
	[sflag:s22] =	ssyncadd.s32 $0xFFFFF980  }
0xc2: {  	[hbm4b:s30+s25] =	stream.strided.scatter [tilespmem:s31], [sflag:$0x3], $0x680, s26, s25, $0x38;
	[tilespmem:$0x10400] =	vst v63  }
0xc3: {  	_ =	swait.ge [sflag:s22], $0x680  }
0xc4: {  	[sflag:s22] =	ssyncset.done $0x0  }
0xc5: {  	s7 =	sadd.s32 $0xE00, s4;
	s8 =	sadd.s32 $0x6180, s0;
	[sflag:s22] =	ssyncadd.s32 $0xFFFFF980  }
0xc6: {  	[hbm4b:s7+s25] =	stream.strided.scatter [tilespmem:s8], [sflag:$0x3], $0x680, s26, s25, $0x38;
	[tilespmem:$0x10400] =	vst v63  }
0xc7: {  	_ =	swait.ge [sflag:s22], $0x680  }
0xc8: {  	[sflag:s22] =	ssyncset.done $0x0  }
0xc9: {  	s23 =	sadd.s32 $0x1000, s4;
	s29 =	sadd.s32 $0x6800, s0;
	[sflag:s22] =	ssyncadd.s32 $0xFFFFF980  }
0xca: {  	[hbm4b:s23+s25] =	stream.strided.scatter [tilespmem:s29], [sflag:$0x3], $0x680, s26, s25, $0x38;
	[tilespmem:$0x10400] =	vst v63  }
0xcb: {  	_ =	swait.ge [sflag:s22], $0x680  }
0xcc: {  	[sflag:s22] =	ssyncset.done $0x0  }
0xcd: {  	s30 =	sadd.s32 $0x1200, s4;
	s31 =	sadd.s32 $0x6E80, s0;
	[sflag:s22] =	ssyncadd.s32 $0xFFFFF980  }
0xce: {  	[hbm4b:s30+s25] =	stream.strided.scatter [tilespmem:s31], [sflag:$0x3], $0x680, s26, s25, $0x38;
	[tilespmem:$0x10400] =	vst v63  }
0xcf: {  	_ =	swait.ge [sflag:s22], $0x680  }
0xd0: {  	[sflag:s22] =	ssyncset.done $0x0  }
0xd1: {  	s7 =	sadd.s32 $0x1400, s4;
	s8 =	sadd.s32 $0x7500, s0;
	[sflag:s22] =	ssyncadd.s32 $0xFFFFF980  }
0xd2: {  	[hbm4b:s7+s25] =	stream.strided.scatter [tilespmem:s8], [sflag:$0x3], $0x680, s26, s25, $0x38;
	[tilespmem:$0x10400] =	vst v63  }
0xd3: {  	_ =	swait.ge [sflag:s22], $0x680  }
0xd4: {  	[sflag:s22] =	ssyncset.done $0x0  }
0xd5: {  	s23 =	sadd.s32 $0x1600, s4;
	s29 =	sadd.s32 $0x7B80, s0;
	[sflag:s22] =	ssyncadd.s32 $0xFFFFF980  }
0xd6: {  	[hbm4b:s23+s25] =	stream.strided.scatter [tilespmem:s29], [sflag:$0x3], $0x680, s26, s25, $0x38;
	[tilespmem:$0x10400] =	vst v63  }
0xd7: {  	_ =	swait.ge [sflag:s22], $0x680  }
0xd8: {  	[sflag:s22] =	ssyncset.done $0x0  }
0xd9: {  	s30 =	sadd.s32 $0x1800, s4;
	s31 =	sor.u32 $0x8200, s0;
	[sflag:s22] =	ssyncadd.s32 $0xFFFFF980  }
0xda: {  	[hbm4b:s30+s25] =	stream.strided.scatter [tilespmem:s31], [sflag:$0x3], $0x680, s26, s25, $0x38;
	[tilespmem:$0x10400] =	vst v63  }
0xdb: {  	_ =	swait.ge [sflag:s22], $0x680  }
0xdc: {  	[sflag:s22] =	ssyncset.done $0x0  }
0xdd: {  	s7 =	sadd.s32 $0x1A00, s4;
	s8 =	sadd.s32 $0x8880, s0;
	[sflag:s22] =	ssyncadd.s32 $0xFFFFF980  }
0xde: {  	[hbm4b:s7+s25] =	stream.strided.scatter [tilespmem:s8], [sflag:$0x3], $0x680, s26, s25, $0x38;
	[tilespmem:$0x10400] =	vst v63  }
0xdf: {  	_ =	swait.ge [sflag:s22], $0x680  }
0xe0: {  	[sflag:s22] =	ssyncset.done $0x0  }
0xe1: {  	s23 =	sadd.s32 $0x1C00, s4;
	s29 =	sadd.s32 $0x8F00, s0;
	[sflag:s22] =	ssyncadd.s32 $0xFFFFF980  }
0xe2: {  	[hbm4b:s23+s25] =	stream.strided.scatter [tilespmem:s29], [sflag:$0x3], $0x680, s26, s25, $0x38;
	[tilespmem:$0x10400] =	vst v63  }
0xe3: {  	_ =	swait.ge [sflag:s22], $0x680  }
0xe4: {  	[sflag:s22] =	ssyncset.done $0x0  }
0xe5: {  	s4 =	sadd.s32 $0x1E00, s4;
	s0 =	sadd.s32 $0x9580, s0;
	[sflag:s22] =	ssyncadd.s32 $0xFFFFF980  }
0xe6: {  	[hbm4b:s4+s25] =	stream.strided.scatter [tilespmem:s0], [sflag:$0x3], $0x680, s26, s25, $0x38;
	[tilespmem:$0x10400] =	vst v63  }
0xe7: {  	_ =	swait.ge [sflag:s22], $0x680  }
0xe8: {  	[sflag:s22] =	ssyncset.done $0x0  }
0xe9: {  	[sflag:s22] =	ssyncadd.s32 $0xFFFFF980  }
0xea: {  	_ =	swait.ge [sflag:s28], $0x6800  }
0xeb: {  	[sflag:s28] =	ssyncset.done $0x0  }
0xec: {  	s31 =	simm.s32 $0x9C00;
	s30 =	rddreg [dreg:$0x5];
	[sflag:s28] =	ssyncadd.s32 $0xFFFF9800  }
0xed: {  	[hbm4b:s30+s25] =	stream.strided.scatter [tilespmem:s31], [sflag:$0x3], $0x680, s26, s25, $0x38;
	[tilespmem:$0x10400] =	vst v63  }
0xee: {  	_ =	swait.ge [sflag:s22], $0x680  }
0xef: {  	[sflag:s22] =	ssyncset.done $0x0  }
0xf0: {  	s5 =	simm.s32 $0xA280;
	s4 =	rddreg [dreg:$0x6];
	[sflag:s22] =	ssyncadd.s32 $0xFFFFF980  }
0xf1: {  	[hbm4b:s4+s25] =	stream.strided.scatter [tilespmem:s5], [sflag:$0x3], $0x680, s26, s25, $0x38;
	[tilespmem:$0x10400] =	vst v63  }
0xf2: {  	_ =	swait.ge [sflag:s22], $0x680  }
0xf3: {  	[sflag:s22] =	ssyncset.done $0x0  }
0xf4: {  	s7 =	simm.s32 $0xA900;
	s6 =	rddreg [dreg:$0x7];
	[sflag:s22] =	ssyncadd.s32 $0xFFFFF980  }
0xf5: {  	[hbm4b:s6+s25] =	stream.strided.scatter [tilespmem:s7], [sflag:$0x3], $0x680, s26, s25, $0x38;
	[tilespmem:$0x10400] =	vst v63  }
0xf6: {  	_ =	swait.ge [sflag:s22], $0x680  }
0xf7: {  	[sflag:s22] =	ssyncset.done $0x0  }
0xf8: {  	s23 =	simm.s32 $0xAF80;
	s8 =	rddreg [dreg:$0x8];
	[sflag:s22] =	ssyncadd.s32 $0xFFFFF980  }
0xf9: {  	[hbm4b:s8+s25] =	stream.strided.scatter [tilespmem:s23], [sflag:$0x3], $0x680, s26, s25, $0x38;
	[tilespmem:$0x10400] =	vst v63  }
0xfa: {  	_ =	swait.ge [sflag:s22], $0x680  }
0xfb: {  	[sflag:s22] =	ssyncset.done $0x0  }
0xfc: {  	s29 =	simm.s32 $0xB600;
	[sflag:s22] =	ssyncadd.s32 $0xFFFFF980  }
0xfd: {  	[hbm4b:s9+s25] =	stream.strided.scatter [tilespmem:s29], [sflag:$0x3], $0x680, s26, s25, $0x38;
	[tilespmem:$0x10400] =	vst v63  }
0xfe: {  	_ =	swait.ge [sflag:s22], $0x680  }
0xff: {  	[sflag:s22] =	ssyncset.done $0x0  }
0x100: {  	s30 =	simm.s32 $0xBC80;
	[sflag:s22] =	ssyncadd.s32 $0xFFFFF980  }
0x101: {  	[hbm4b:s10+s25] =	stream.strided.scatter [tilespmem:s30], [sflag:$0x3], $0x680, s26, s25, $0x38;
	[tilespmem:$0x10400] =	vst v63  }
0x102: {  	_ =	swait.ge [sflag:s22], $0x680  }
0x103: {  	[sflag:s22] =	ssyncset.done $0x0  }
0x104: {  	s31 =	simm.s32 $0xC300;
	[sflag:s22] =	ssyncadd.s32 $0xFFFFF980  }
0x105: {  	[hbm4b:s11+s25] =	stream.strided.scatter [tilespmem:s31], [sflag:$0x3], $0x680, s26, s25, $0x38;
	[tilespmem:$0x10400] =	vst v63  }
0x106: {  	_ =	swait.ge [sflag:s22], $0x680  }
0x107: {  	[sflag:s22] =	ssyncset.done $0x0  }
0x108: {  	s4 =	simm.s32 $0xC980;
	[sflag:s22] =	ssyncadd.s32 $0xFFFFF980  }
0x109: {  	[hbm4b:s12+s25] =	stream.strided.scatter [tilespmem:s4], [sflag:$0x3], $0x680, s26, s25, $0x38;
	[tilespmem:$0x10400] =	vst v63  }
0x10a: {  	_ =	swait.ge [sflag:s22], $0x680  }
0x10b: {  	[sflag:s22] =	ssyncset.done $0x0  }
0x10c: {  	s5 =	simm.s32 $0xD000;
	[sflag:s22] =	ssyncadd.s32 $0xFFFFF980  }
0x10d: {  	[hbm4b:s13+s25] =	stream.strided.scatter [tilespmem:s5], [sflag:$0x3], $0x680, s26, s25, $0x38;
	[tilespmem:$0x10400] =	vst v63  }
0x10e: {  	_ =	swait.ge [sflag:s22], $0x680  }
0x10f: {  	[sflag:s22] =	ssyncset.done $0x0  }
0x110: {  	s6 =	simm.s32 $0xD680;
	[sflag:s22] =	ssyncadd.s32 $0xFFFFF980  }
0x111: {  	[hbm4b:s14+s25] =	stream.strided.scatter [tilespmem:s6], [sflag:$0x3], $0x680, s26, s25, $0x38;
	[tilespmem:$0x10400] =	vst v63  }
0x112: {  	_ =	swait.ge [sflag:s22], $0x680  }
0x113: {  	[sflag:s22] =	ssyncset.done $0x0  }
0x114: {  	s7 =	simm.s32 $0xDD00;
	[sflag:s22] =	ssyncadd.s32 $0xFFFFF980  }
0x115: {  	[hbm4b:s15+s25] =	stream.strided.scatter [tilespmem:s7], [sflag:$0x3], $0x680, s26, s25, $0x38;
	[tilespmem:$0x10400] =	vst v63  }
0x116: {  	_ =	swait.ge [sflag:s22], $0x680  }
0x117: {  	[sflag:s22] =	ssyncset.done $0x0  }
0x118: {  	s8 =	simm.s32 $0xE380;
	[sflag:s22] =	ssyncadd.s32 $0xFFFFF980  }
0x119: {  	[hbm4b:s16+s25] =	stream.strided.scatter [tilespmem:s8], [sflag:$0x3], $0x680, s26, s25, $0x38;
	[tilespmem:$0x10400] =	vst v63  }
0x11a: {  	_ =	swait.ge [sflag:s22], $0x680  }
0x11b: {  	[sflag:s22] =	ssyncset.done $0x0  }
0x11c: {  	s23 =	simm.s32 $0xEA00;
	[sflag:s22] =	ssyncadd.s32 $0xFFFFF980  }
0x11d: {  	[hbm4b:s17+s25] =	stream.strided.scatter [tilespmem:s23], [sflag:$0x3], $0x680, s26, s25, $0x38;
	[tilespmem:$0x10400] =	vst v63  }
0x11e: {  	_ =	swait.ge [sflag:s22], $0x680  }
0x11f: {  	[sflag:s22] =	ssyncset.done $0x0  }
0x120: {  	s29 =	simm.s32 $0xF080;
	[sflag:s22] =	ssyncadd.s32 $0xFFFFF980  }
0x121: {  	[hbm4b:s18+s25] =	stream.strided.scatter [tilespmem:s29], [sflag:$0x3], $0x680, s26, s25, $0x38;
	[tilespmem:$0x10400] =	vst v63  }
0x122: {  	_ =	swait.ge [sflag:s22], $0x680  }
0x123: {  	[sflag:s22] =	ssyncset.done $0x0  }
0x124: {  	s30 =	simm.s32 $0xF700;
	[sflag:s22] =	ssyncadd.s32 $0xFFFFF980  }
0x125: {  	[hbm4b:s19+s25] =	stream.strided.scatter [tilespmem:s30], [sflag:$0x3], $0x680, s26, s25, $0x38;
	[tilespmem:$0x10400] =	vst v63  }
0x126: {  	s1 =	sadd.s32 $0x1, s1;
	_ =	swait.ge [sflag:s22], $0x680  }
0x127: {  	p0 =	sne.s32 s1, s21;
	[sflag:s22] =	ssyncset.done $0x0  }
.Ltmp1:
0x128: {  	s31 =	simm.s32 $0xFD80;
	[sflag:s22] =	ssyncadd.s32 $0xFFFFF980;
	(pc) =	sbr.rel @p0 .LBB2_1-.Ltmp1, $4  }
0x129: {  	[hbm4b:s20+s25] =	stream.strided.scatter [tilespmem:s31], [sflag:$0x3], $0x680, s26, s25, $0x38;
	[tilespmem:$0x10400] =	vst v63  }
0x12a: {  	_ =	swait.ge [sflag:s22], $0x680  }
0x12b: {  	[sflag:s22] =	ssyncset.done $0x0  }
0x12c: {  	[sflag:s22] =	ssyncadd.s32 $0xFFFFF980  }
0x12d: {  	_ =	sfence.sel $0x180000  }
0x12e: {  	[bflag:$0x0] =	sbarrier.arrive $0xFFFF  }
0x12f: {  	_ =	strace $0x90000047  }
0x130: {  	s0 =	stileid.u32;
	[bflag:$0x2] =	sbarrier.arrive $0xFFFF  }
0x131: {  	p0 =	sne.s32 s0, $0x0;
	s0 =	rddreg [dreg:$0x2]  }
0x132: {  	s0 =	sadd.s32 @!p0 $0x100000, s0  }
0x133: {  	[sflag:s0] =	ssyncadd.tile.s32 @!p0 $0x1;
	_ =	shalt  }
.Lfunc_end2:
_tile_overlayer_lowered:
.L_overlay_start_2:
0x134: {  	(tag) =	ssettag $0x2  }
0x135: {  	s0 =	rddreg [dreg:$0x0];
	s2 =	stileid.u32  }
0x136: {  	s1 =	rddreg [dreg:$0x1];
	p0 =	sne.s32 s2, $0x0  }
0x137: {  	s3 =	rddreg [dreg:$0x2];
	[bflag:$0x3] =	sbarrier.arrive $0xFFFF;
	s2 =	simm.s32 @!p0 $0x1C03  }
0x138: {  	[timem:s3], [sflag:s2] =	dma.local @!p0 [hbm:s0], s1  }
0x139: {  	s0 =	simm.s32 @!p0 $0x3  }
0x13a: {  	_ =	swait.ge @!p0 [sflag:s0], s1  }
0x13b: {  	s1 =	ssub.s32 @!p0 $0x0, s1;
	[sflag:s0] =	ssyncset.done @!p0 $0x0  }
0x13c: {  	[sflag:s0] =	ssyncadd.s32 @!p0 s1  }
0x13d: {  	[bflag:$0x3] =	sbarrier.arrive $0xFFFF  }
0x13e: {  	_ =	shalt  }

// kernel: sparse-core-data-format-call.cloned.1.call-start
scs
called_computation_lowered:
.L_overlay_start_0:
0x0: {  	s2 =	sld [smem:$0x3FD9]  }
0x1: {  	s3 =	sld [smem:$0x3FFE];
	_ =	sdelay $0x1  }
0x2: {  	s1 =	srdreg.scid  }
0x3: {  	s0 =	sand.u32 $0x1, s1  }
0x4: {  	s18 =	sshll.u32 s0, $0xA;
	s2 =	sadd.s32 s3, s2  }
0x5: {  	s2 =	sadd.s32 s2, s18  }
0x6: {  	[smem:$0x3FC6] =	sst s2  }
0x7: {  	_ = 	snop  }
0x8: {  	s2 =	sld [smem:$0x3FD0];
	(tm) =	ssettm $0x1  }
0x9: {  	s19 =	sld [smem:$0x3FFB];
	_ =	sdelay $0x3  }
0xa: {  	_ =	strace s19  }
0xb: {  	s3 =	sld [smem:$0x3FFC];
	_ =	sdelay $0x3  }
0xc: {  	_ =	strace s3  }
0xd: {  	s3 =	sld [smem:$0x3FFD];
	_ =	sdelay $0x3  }
0xe: {  	_ =	strace s3  }
0xf: {  	_ =	strace $0x8FFFFFFF  }
0x10: {  	s20 =	sld [smem:$0x3FDB];
	_ =	sdelay $0x1  }
0x11: {  	s4 =	simm.s32 $_scs_section_size  }
0x12: {  	s5 =	simm.s32 $_size__tile_overlayer_lowered;
	s6 =	simm.s32 $_tile_overlayer_lowered  }
0x13: {  	s23 =	simm.s32 $0x1BFF;
	s22 =	sshll.u32 s6, $0x1;
	s3 =	sadd.s32 s4, s20  }
0x14: {  	s7 =	simm.s32 $0x0;
	s21 =	sshll.u32 s5, $0x1;
	s5 =	sadd.s32 s22, s3  }
0x15: {  	[timem:s7], [sflag:s23] =	dma.local [hbm:s5], s21  }
0x16: {  	_ =	swait.ge [sflag:s23], s21  }
0x17: {  	s4 =	ssub.s32 $0x0, s21;
	[sflag:s23] =	ssyncset.done $0x0  }
0x18: {  	[sflag:s23] =	ssyncadd.s32 s4;
	_ =	sdelay $0x1  }
0x19: {  	s24 =	simm.s32 $0x1B8B  }
0x1a: {  	_ =	swait.ge [sflag:s24], $0x1  }
0x1b: {  	[sflag:s24] =	ssyncset.done $0x0  }
0x1c: {  	s26 =	simm.s32 $0x1B8E;
	s25 =	sld [smem:$0x3FFE];
	[sflag:s24] =	ssyncadd.s32 $0xFFFFFFFF  }
0x1d: {  	s27 =	simm.s32 $execute0_lowered;
	[smem:$0x3FD2] =	sst s26  }
0x1e: {  	s5 =	sshll.u32 s27, $0x1;
	_ =	strace $0x80000049;
	[dreg:$0x1] =	wrdreg $0xFFFFFFFF  }
0x1f: {  	s28 =	simm.s32 $_size_execute0_lowered;
	s3 =	sadd.s32 s3, s5;
	[dreg:$0x0] =	wrdreg $0x0  }
0x20: {  	s5 =	sshll.u32 s28, $0x1;
	[dreg:$0x2] =	wrdreg s3  }
0x21: {  	[dreg:$0x3] =	wrdreg s5  }
0x22: {  	[dreg:$0x4] =	wrdreg $0xC0  }
0x23: {  	_ =	task [dreg:s7], $0x5FFFF  }
0x24: {  	[dreg:$0x1] =	wrdreg $0xFFFFFFFF  }
0x25: {  	[dreg:$0x0] =	wrdreg $0x60  }
0x26: {  	[dreg:$0x2] =	wrdreg s25  }
0x27: {  	[dreg:$0x3] =	wrdreg s2  }
0x28: {  	[dreg:$0x4] =	wrdreg $0x9  }
0x29: {  	_ =	task.clear_ibuf [dreg:s7], $0x5FFFF;
	_ =	strace $0x90000049  }
0x2a: {  	s29 =	simm.s32 $0x9;
	_ =	strace $0x8000004B  }
0x2b: {  	_ =	swait.ge [sflag:s29], $0x1  }
0x2c: {  	[sflag:s29] =	ssyncadd.s32 $0xFFFFFFFF  }
0x2d: {  	_ =	strace $0x9000004B  }
0x2e: {  	_ =	sfence  }
0x2f: {  	s30 =	sld [smem:$0x0];
	_ =	sdelay $0x2  }
0x30: {  	s31 =	sshll.u32 s1, $0xD;
	s1 =	sshrl.u32 s1, $0x2  }
0x31: {  	s3 =	sand.u32 $0x4000, s31;
	s1 =	sadd.s32 s1, s30  }
0x32: {  	s0 =	sor.u32 s3, s0;
	s1 =	sshll.u32 s1, $0x11  }
0x33: {  	s0 =	sor.u32 s1, s0  }
0x34: {  	s0 =	sadd.s32 $0x8F2B, s0  }
0x35: {  	[sflag:s0] =	ssyncadd.remote.s32 $0x1  }
0x36: {  	_ =	sfence.sel $0xFFFF  }
0x37: {  	[dreg:$0x0] =	wrdreg $0xFFFFFFFF;
	(pc) =	sbr.abs _section_cstart, $3  }
0x38: {  	[dreg:$0x1] =	wrdreg $0xFFFFFFFF  }
0x39: {  	_ =	task.clear_ibuf [dreg:s7], $0x2FFFF;
	_ =	strace $0x9FFFFFFF  }
0x3a: {  	(tm) =	ssettm $0x7FFFFFFF  }
0x3b: {  	_ =	shalt  }
tec
execute0_lowered:
.L_overlay_start_1:
0x0: {  	(tag) =	ssettag $0x1  }
0x1: {  	s0 =	srdreg.scid  }
0x2: {  	s1 =	sshll.u32 s0, $0x4  }
0x3: {  	s0 =	stileid.u32;
	s1 =	sand.u32 $0x10, s1  }
0x4: {  	s1 =	sor.u32 s0, s1  }
0x5: {  	s6 =	rddreg [dreg:$0x0];
	s4 =	simm.s32 $0x1;
	s2 =	sshll.u32 s1, $0x7  }
0x6: {  	s7 =	simm.s32 $0x2;
	s12 =	simm.s32 $0x0;
	s1 =	ssub.s32 $0x4000, s2  }
0x7: {  	s8 =	simm.s32 $0x20000;
	s13 =	simm.s32 $0x0;
	s3 =	sand.u32 $0xF80, s1  }
0x8: {  	s9 =	simm.s32 $0x0;
	s5 =	sshrl.u32 s1, $0xC;
	p0 =	sne.s32 s3, $0x0  }
.Ltmp0:
0x9: {  	s1 =	rddreg [dreg:$0x2];
	s4 =	simm.s32 @!p0 $0x0;
	(pc) =	sbr.rel .LBB1_1-.Ltmp0, $4  }
0xa: {  	s11 =	simm.s32 $0x0;
	s3 =	rddreg [dreg:$0x1];
	s5 =	sadd.s32 s4, s5  }
0xb: {  	_ =	strace $0x8000004A;
	s4 =	simm.s32 $0x1;
	s5 =	smul.u32 $0x1A, s5  }
0xc: {  	s6 =	sadd.s32 $0xA00, s6;
	s10 =	smov.u32 s2;
	[sflag:s4] =	ssyncpa.u1 $0x0  }
0xd: {  	p0 =	por $0x0, $0x0;
	[sflag:s7] =	ssyncpa.u1 $0x0;
	s7 =	sor.u32 $0x1, s5  }
.LBB1_4:
0xe: {  	s16 =	sshll.u32 s13, $0x3;
	s17 =	sand.u32 $0x78, s13  }
0xf: {  	s30 =	sand.u32 $0x1F800, s13;
	s12 =	sshll.u32 s12, $0x11;
	s16 =	sand.u32 $0x3C00, s16  }
0x10: {  	[tilespmem:s15+$0x810 ss:$0x81] =	vst.msk $0xffff, v2;
	s31 =	sand.u32 $0x7, s13;
	s16 =	sor.u32 s17, s16;
	s17 =	sadd.s32 s3, s30  }
0x11: {  	[tilespmem:s15+$0x1020 ss:$0x81] =	vst.msk $0xffff, v0;
	s13 =	sshll.u32 s31, $0x12;
	s12 =	sadd.s32 s12, s17;
	s16 =	sshrl.u32 s16, $0x3  }
0x12: {  	[tilespmem:s15+$0x0 ss:$0x81] =	vst.msk $0xffff, v1;
	s13 =	sor.u32 $0x400, s13;
	s12 =	sadd.s32 s16, s12  }
0x13: {  	[hbm4b:s12+s13] =	stream.strided.scatter [tilespmem:s14], [sflag:$0x2], $0x2000, s8, s13, $0x20;
	[tilespmem:$0x8080] =	vst v63  }
.LBB1_5:
0x14: {  	s14 =	sadd.s32 $0x1, s9  }
0x15: {  	s12 =	sadd.s32 $0x1000, s10;
	s16 =	smov.u32 s10;
	p2 =	sgt.s32 s14, $0x19  }
0x16: {  	s16 =	smov.u32 @p2 s12  }
0x17: {  	s14 =	simm.s32 @p2 $0x0;
	p2 =	sgt.s32 s16, $0x3FFF  }
0x18: {  	s16 =	smov.u32 @p2 s2;
	p2 =	sne.s32 s11, s7  }
.Ltmp1:
0x19: {  	p1 =	slt.u32 s11, $0x2;
	(pc) =	sbr.rel @!p2 .LBB1_6-.Ltmp1, $4  }
0x1a: {  	s15 =	simm.s32 @!p1 $0x2  }
0x1b: {  	s13 =	smov.u32 s10;
	p0 =	por !p0, !p0;
	_ =	swait.ge @!p1 [sflag:s15], $0x2000  }
0x1c: {  	s12 =	smov.u32 s9;
	[sflag:s15] =	ssyncset.done @!p1 $0x0;
	s9 =	smov.u32 s14  }
0x1d: {  	s11 =	sadd.s32 $0x1, s11;
	[sflag:s15] =	ssyncadd.s32 @!p1 $0xFFFFE000;
	s10 =	smov.u32 s16  }
.LBB1_1:
0x1e: {  	p1 =	sge.u32 s11, s5  }
0x1f: {  	s31 =	sadd.s32 $0xFFFFFFFF, s11;
	s14 =	sxor.u32 @!p1 $0xFFFFFFFF, s11  }
0x20: {  	s15 =	sshll.u32 @!p1 s10, $0x9;
	s16 =	sshll.u32 @!p1 s9, $0x4;
	s17 =	simm.s32 @!p1 $0x1000  }
0x21: {  	s14 =	sshll.u32 @!p1 s14, $0xD;
	s16 =	sand.u32 @!p1 $0x1F0, s16;
	s15 =	sadd.s32 @!p1 s6, s15  }
0x22: {  	s14 =	sand.u32 @!p1 $0x2000, s14;
	s15 =	sadd.s32 @!p1 s16, s15;
	s16 =	simm.s32 @!p1 $0x40  }
0x23: {  	[tilespmem:s14], [sflag:$0x1] =	stream.strided.gather @!p1 [hbm4b:s15+s16], $0x2000, s17, s16, $0x38;
	[tilespmem:$0x8080] =	vst v63  }
0x24: {  	p1 =	sge.u32 s31, s5  }
.Ltmp2:
0x25: {  	_ = 	snop;
	(pc) =	sbr.rel @p1 .LBB1_5-.Ltmp2, $1  }
0x26: {  	_ =	sdelay $0x3  }
0x27: {  	s14 =	simm.s32 $0x1  }
0x28: {  	_ =	swait.ge [sflag:s4], $0x2000;
	s14 =	simm.s32 @!p0 $0x0  }
0x29: {  	[sflag:s4] =	ssyncset.done $0x0;
	s15 =	sshll.u32 s14, $0xD  }
0x2a: {  	[sflag:s4] =	ssyncadd.s32 $0xFFFFE000;
	s18 =	sor.u32 $0x20, s15  }
0x2b: {  	s14 =	smul.u32 $0x8100, s14;
	v3 =	vld [tilespmem:s18+$0x10]  }
0x2c: {  	s30 =	sand.u32 $0x1, s11;
	v2 =	vld [tilespmem:s18+$0xFFFFFFF0]  }
0x2d: {  	s15 =	smul.u32 $0x8100, s30;
	s14 =	sshrl.u32 s14, $0x2;
	v0 =	vld [tilespmem:s18+$0x0]  }
0x2e: {  	v1 =	vld [tilespmem:s18+$0xFFFFFFE0];
	s16 =	sor.u32 $0x4000, s14  }
0x2f: {  	s31 =	sshrl.u32 s15, $0x2;
	s15 =	sadd.s32 $0x0, s16  }
0x30: {  	s17 =	simm.s32 $0x4;
	s18 =	sadd.s32 $0x40, s18;
	s14 =	sor.u32 $0x4000, s31;
	[tilespmem:s15+$0x1830 ss:$0x81] =	vst.msk $0xffff, v3  }
.LBB1_3:
0x31: {  	v3 =	vld [tilespmem:s18+$0x10];
	p1 =	sne.s32 s17, $0x1FC;
	[tilespmem:s15+$0x810 ss:$0x81] =	vst.msk $0xffff, v2;
	s19 =	smov.u32 s17;
	s17 =	sadd.s32 $0x4, s17  }
.Ltmp3:
0x32: {  	v2 =	vld [tilespmem:s18+$0xFFFFFFF0];
	[tilespmem:s15+$0x1020 ss:$0x81] =	vst.msk $0xffff, v0;
	(pc) =	sbr.rel @p1 .LBB1_3-.Ltmp3, $4  }
0x33: {  	v0 =	vld [tilespmem:s18+$0x0];
	[tilespmem:s15+$0x0 ss:$0x81] =	vst.msk $0xffff, v1  }
0x34: {  	s15 =	sshra.s32 s19, $0x2;
	v1 =	vld [tilespmem:s18+$0xFFFFFFE0]  }
0x35: {  	s15 =	sadd.s32 s15, s16  }
0x36: {  	s18 =	sadd.s32 $0x40, s18;
	[tilespmem:s15+$0x1830 ss:$0x81] =	vst.msk $0xffff, v3  }
.Ltmp4:
0x37: {  	_ = 	snop;
	(pc) =	sbr.rel .LBB1_4-.Ltmp4, $1  }
0x38: {  	_ =	sdelay $0x3  }
.LBB1_6:
0x39: {  	_ =	sfence.sel $0x180000  }
0x3a: {  	s2 =	simm.s32 $0x1;
	[bflag:$0x0] =	sbarrier.arrive $0xFFFF  }
0x3b: {  	s31 =	simm.s32 $0x2;
	[sflag:s2] =	ssyncpa.u1 $0x1  }
0x3c: {  	[sflag:s31] =	ssyncpa.u1 $0x1  }
0x3d: {  	p0 =	sne.s32 s0, $0x0;
	_ =	strace $0x9000004A  }
0x3e: {  	s0 =	sadd.s32 @!p0 $0x100000, s1;
	[bflag:$0x2] =	sbarrier.arrive $0xFFFF  }
0x3f: {  	[sflag:s0] =	ssyncadd.tile.s32 @!p0 $0x1;
	_ =	shalt  }
.Lfunc_end1:
_tile_overlayer_lowered:
.L_overlay_start_2:
0x40: {  	(tag) =	ssettag $0x2  }
0x41: {  	s0 =	rddreg [dreg:$0x0];
	s2 =	stileid.u32  }
0x42: {  	s1 =	rddreg [dreg:$0x1];
	p0 =	sne.s32 s2, $0x0  }
0x43: {  	s3 =	rddreg [dreg:$0x2];
	[bflag:$0x3] =	sbarrier.arrive $0xFFFF;
	s2 =	simm.s32 @!p0 $0x1C01  }
0x44: {  	[timem:s3], [sflag:s2] =	dma.local @!p0 [hbm:s0], s1  }
0x45: {  	s0 =	simm.s32 @!p0 $0x1  }
0x46: {  	_ =	swait.ge @!p0 [sflag:s0], s1  }
0x47: {  	s1 =	ssub.s32 @!p0 $0x0, s1;
	[sflag:s0] =	ssyncset.done @!p0 $0x0  }
0x48: {  	[sflag:s0] =	ssyncadd.s32 @!p0 s1  }
0x49: {  	[bflag:$0x3] =	sbarrier.arrive $0xFFFF  }
0x4a: {  	_ =	shalt  }

</sc_bundles>
